<compile_context>
chip_gen: v7x
topology: tpu7x:2x2x1
jax: 0.10.2.dev20260603
libtpu: 0.0.44.dev20260713+nightly
codegen_flags: <defaults>
</compile_context>

<pallas_src>
import jax
import jax.numpy as jnp
from jax.experimental import pallas as pl
from jax.experimental.pallas import tpu as pltpu
from jax.experimental.pallas import tpu_sc as plsc

_B = 1024
_D = 128
_P = 100000
_TEMP = 0.05
_LN2 = 0.6931471805599453
_P_BLK = 2000
_SLAB = 500
_SUP = 2 * _P_BLK
_NSUP = _P // _SUP
_GATHER_W = 128


def _sc_gather(storage, indices):
    idx = indices.astype(jnp.int32).reshape(1, _B)
    mesh = plsc.VectorSubcoreMesh(core_axis_name="core", subcore_axis_name="subcore")

    @pl.kernel(
        out_type=jax.ShapeDtypeStruct((_B, _D), storage.dtype),
        mesh=mesh,
    )
    def gather_kernel(st_hbm, i_hbm, o_hbm):
        def body(i_vmem, o_vmem):
            pltpu.sync_copy(st_hbm.at[i_vmem.at[0]], o_vmem)

        pltpu.emit_pipeline(
            body,
            grid=(_B // _GATHER_W,),
            in_specs=[pl.BlockSpec((1, _GATHER_W), lambda i: (0, i))],
            out_specs=[pl.BlockSpec((_GATHER_W, _D), lambda i: (i, 0))],
            core_axis_name="subcore",
            dimension_semantics=(pltpu.PARALLEL,),
        )(i_hbm, o_hbm)

    return gather_kernel(storage, idx)


def _online_reduce(buf_ref, gate, m_acc, s_acc):
    m = m_acc[...]
    s = s_acc[...]
    sc = buf_ref[...]
    m_new = jnp.maximum(m, jnp.max(sc, axis=0, keepdims=True))
    e = jnp.exp2(sc - m_new)
    part = (e[0 * _SLAB : 1 * _SLAB] + e[1 * _SLAB : 2 * _SLAB]) + (
        e[2 * _SLAB : 3 * _SLAB] + e[3 * _SLAB : 4 * _SLAB]
    )
    s = s * jnp.exp2(m - m_new) + gate * jnp.sum(
        part, axis=0, keepdims=True, dtype=jnp.float32
    )
    m_acc[...] = m_new
    s_acc[...] = s


def _lse_body(x_ref, st_ref, g_ref, loss_ref, buf_a, buf_b, m_acc, s_acc):
    j = pl.program_id(0)

    @pl.when(j == 0)
    def _init():
        m_acc[...] = jnp.full((1, _B), -jnp.inf, jnp.float32)
        s_acc[...] = jnp.zeros((1, _B), jnp.float32)
        buf_b[...] = jnp.full((_P_BLK, _B), -1e30, jnp.float32)

    st = st_ref[...].astype(jnp.bfloat16)
    x = x_ref[...]
    dims = (((1,), (0,)), ((), ()))
    buf_a[...] = jax.lax.dot_general(
        st[: _P_BLK], x, dims, preferred_element_type=jnp.float32
    )
    _online_reduce(buf_b, 1.0, m_acc, s_acc)
    buf_b[...] = jax.lax.dot_general(
        st[_P_BLK :], x, dims, preferred_element_type=jnp.float32
    )
    gate_a = jnp.where(j < _NSUP, 1.0, 0.0)
    _online_reduce(buf_a, gate_a, m_acc, s_acc)

    @pl.when(j == _NSUP)
    def _finish():
        picked2 = jnp.sum(
            x_ref[...].astype(jnp.float32) * g_ref[...].astype(jnp.float32),
            axis=0,
            keepdims=True,
        )
        lse2 = jnp.log2(s_acc[...]) + m_acc[...]
        loss_ref[...] = jnp.sum(lse2 - picked2, keepdims=True) * (_LN2 / _B)


def _fused_loss(x_t, storage, g_t, interpret=False):
    return pl.pallas_call(
        _lse_body,
        grid=(_NSUP + 1,),
        in_specs=[
            pl.BlockSpec((_D, _B), lambda j: (0, 0)),
            pl.BlockSpec((_SUP, _D), lambda j: (jnp.minimum(j, _NSUP - 1), 0)),
            pl.BlockSpec((_D, _B), lambda j: (0, 0)),
        ],
        out_specs=pl.BlockSpec((1, 1), lambda j: (0, 0)),
        out_shape=jax.ShapeDtypeStruct((1, 1), jnp.float32),
        scratch_shapes=[
            pltpu.VMEM((_P_BLK, _B), jnp.float32),
            pltpu.VMEM((_P_BLK, _B), jnp.float32),
            pltpu.VMEM((1, _B), jnp.float32),
            pltpu.VMEM((1, _B), jnp.float32),
        ],
        compiler_params=pltpu.CompilerParams(
            dimension_semantics=("arbitrary",),
        ),
        interpret=interpret,
    )(x_t, storage, g_t)


def kernel(input_features, camids, proxy_labels, abs_proxy_labels, storage):
    del camids, proxy_labels
    g = _sc_gather(storage, abs_proxy_labels)
    scale = 1.4426950408889634 / _TEMP
    x_t = (input_features * scale).T.astype(jnp.bfloat16)
    g_t = g.T.astype(jnp.bfloat16)
    loss = _fused_loss(x_t, storage, g_t)
    return loss[0, 0]

# --- scband reference (transcript-rebuilt; emitter-appended) ---
"""Pipeline reference for scband-proxy-memory-bank-75582834475211 (READ-ONLY COPY).

The authoritative reference and input builder live on the scoring server;
editing this copy changes nothing except your own understanding.
"""

import jax, jax.numpy as jnp
import numpy as np

FEATURE_DIMS = 128
NUM_PROXIES = 100000  # 2 cameras x 50000 proxies
BATCH = 1024
TEMP = 0.05
MOMENTUM = 0.2


def setup_inputs(seed: int = 0) -> dict:
    key = jax.random.key(seed)
    k1, k2, k3, k4, k5 = jax.random.split(key, 5)
    input_features = jax.random.normal(k1, (BATCH, FEATURE_DIMS), dtype=jnp.float32)
    camids = jax.random.randint(k2, (BATCH,), 0, 2)
    proxy_labels = jax.random.randint(k3, (BATCH,), 0, 50000)
    abs_proxy_labels = jax.random.randint(k4, (BATCH,), 0, NUM_PROXIES)
    # storage buffer: after init_storage it holds L2-normalized proxy centroids
    storage = jax.random.normal(k5, (NUM_PROXIES, FEATURE_DIMS), dtype=jnp.float32)
    storage = storage / (jnp.linalg.norm(storage, axis=1, keepdims=True) + 1e-12)
    return {
        "input_features": input_features,
        "camids": camids,
        "proxy_labels": proxy_labels,
        "abs_proxy_labels": abs_proxy_labels,
        "storage": storage,
    }


def reference(input_features, camids, proxy_labels, abs_proxy_labels, storage):
    # UpdateFunctionIntra.forward: similarity of inputs vs all stored proxy centroids
    input_intra = input_features @ storage.T          # [B, P] gather-free full matmul
    input_intra = input_intra / TEMP
    logits_intra = jax.nn.log_softmax(input_intra, axis=1)
    # F.nll_loss(log_probs, targets) with mean reduction
    picked = jnp.take_along_axis(logits_intra, abs_proxy_labels[:, None], axis=1)[:, 0]
    loss_intra = -jnp.mean(picked)
    return loss_intra

if __name__ == "__main__":
    import jax
    _d = setup_inputs()
    print(jax.jit(kernel)(*tuple(_d.values())))

</pallas_src>

<mosaic_0001>
#map = affine_map<(d0, d1) -> (0, 0)>
module attributes {stable_mosaic.version = 14 : i64} {
  func.func @gather_kernel(%arg0: i32, %arg1: i32, %arg2: memref<100000x128xf32, #tpu.memory_space<hbm>>, %arg3: memref<1x1024xi32, #tpu.memory_space<hbm>>, %arg4: memref<1024x128xf32, #tpu.memory_space<hbm>>) attributes {dimension_semantics = [#tpu.dimension_semantics<core_parallel>, #tpu.dimension_semantics<subcore_parallel>], iteration_bounds = array<i64: 2, 16>, scalar_prefetch = 0 : i64, scratch_operands = 0 : i64, tpu.core_type = #tpu.core_type<sc_vector_subcore>, window_params = [{transform_indices = #map}, {transform_indices = #map}, {transform_indices = #map}]} {
    %lt3A = arith.constant 8 : i32
    %lt3A_0 = arith.cmpi slt, %arg1, %lt3A : i32
    %jit3A = arith.constant 1 : i32
    %jit3A_1 = arith.constant 0 : i32
    %select_n3A = arith.select %lt3A_0, %jit3A, %jit3A_1 : i32
    %lt3A_2 = arith.constant 8 : i32
    %lt3A_3 = arith.cmpi slt, %arg1, %lt3A_2 : i32
    %mul3A = arith.muli %arg1, %select_n3A : i32
    %mul3A_4 = arith.constant 0 : i32
    %mul3A_5 = arith.muli %arg1, %mul3A_4 : i32
    %add3A = arith.constant 8 : i32
    %add3A_6 = arith.addi %mul3A_5, %add3A : i32
    %select_n3A_7 = arith.select %lt3A_3, %mul3A, %add3A_6 : i32
    %mul3A_8 = arith.constant 1 : i32
    %mul3A_9 = arith.muli %mul3A_8, %select_n3A : i32
    "tpu.region"() ({
      %run_scoped3A = memref.alloca() : memref<2x1x128xi32, #tpu.memory_space<vmem>>
      %run_scoped3A_10 = tpu.sem_alloc : memref<2x!tpu.dma_semaphore, #tpu.memory_space<semaphore_mem>>
      %run_scoped3A_11 = memref.alloca() : memref<2x128x128xf32, #tpu.memory_space<vmem>>
      %run_scoped3A_12 = tpu.sem_alloc : memref<2x!tpu.dma_semaphore, #tpu.memory_space<semaphore_mem>>
      %gt3A = arith.constant 0 : i32
      %gt3A_13 = arith.cmpi sgt, %mul3A_9, %gt3A : i32
      %convert_element_type3A = arith.extui %gt3A_13 : i1 to i32
      %cond3A = arith.constant 0 : i32
      %cond3A_14 = arith.cmpi ne, %convert_element_type3A, %cond3A : i32
      scf.if %cond3A_14 {
        %mul3A_15 = arith.constant 1 : i32
        %mul3A_16 = arith.muli %mul3A_15, %select_n3A : i32
        %sub3A = arith.constant 1 : i32
        %sub3A_17 = arith.subi %mul3A_16, %sub3A : i32
        %eq3A = arith.constant 0 : i32
        %eq3A_18 = arith.cmpi eq, %sub3A_17, %eq3A : i32
        %add3A_19 = arith.constant 0 : i32
        %add3A_20 = arith.addi %add3A_19, %select_n3A_7 : i32
        %select_n3A_21 = arith.constant true
        %select_n3A_22 = arith.constant 0 : i32
        %select_n3A_23 = arith.constant -1 : i32
        %select_n3A_24 = arith.select %select_n3A_21, %select_n3A_23, %select_n3A_22 : i32
        %eq3A_25 = arith.constant -1 : i32
        %eq3A_26 = arith.cmpi eq, %select_n3A_24, %eq3A_25 : i32
        %sub3A_27 = arith.constant 1 : i32
        %sub3A_28 = arith.subi %select_n3A, %sub3A_27 : i32
        %select_n3A_29 = arith.select %eq3A_26, %sub3A_28, %select_n3A_24 : i32
        %add3A_30 = arith.addi %select_n3A_29, %select_n3A_7 : i32
        %select_n3A_31 = arith.constant true
        %select_n3A_32 = arith.constant 0 : i32
        %select_n3A_33 = arith.constant 1 : i32
        %select_n3A_34 = arith.select %select_n3A_31, %select_n3A_33, %select_n3A_32 : i32
        %eq3A_35 = arith.cmpi eq, %select_n3A_34, %select_n3A : i32
        %select_n3A_36 = arith.constant 0 : i32
        %select_n3A_37 = arith.select %eq3A_35, %select_n3A_36, %select_n3A_34 : i32
        %add3A_38 = arith.addi %select_n3A_37, %select_n3A_7 : i32
        %add3A_39 = arith.constant 1 : i32
        %add3A_40 = arith.addi %select_n3A_37, %add3A_39 : i32
        %select_n3A_41 = arith.constant true
        %select_n3A_42 = arith.select %select_n3A_41, %add3A_40, %select_n3A_37 : i32
        %eq3A_43 = arith.cmpi eq, %select_n3A_42, %select_n3A : i32
        %select_n3A_44 = arith.constant 0 : i32
        %select_n3A_45 = arith.select %eq3A_43, %select_n3A_44, %select_n3A_42 : i32
        %add3A_46 = arith.addi %select_n3A_45, %select_n3A_7 : i32
        "tpu.trace_start"() <{level = 10 : i32, message = "ep_initialize_0"}> : () -> ()
        %rem3A = arith.constant 0 : i32
        %rem3A_47 = arith.constant 2 : i32
        %rem3A_48 = arith.remui %rem3A, %rem3A_47 : i32
        %mul3A_49 = arith.constant 128 : i32
        %mul3A_50 = arith.muli %mul3A_49, %add3A_20 : i32
        %dma_start3A = arith.constant 0 : i32
        %dma_start3A_51 = arith.constant 0 : i32
        %dma_start3A_52 = tpu.memref_slice %run_scoped3A[%rem3A_48, %dma_start3A, %dma_start3A_51] : memref<2x1x128xi32, #tpu.memory_space<vmem>> -> memref<1x1x128xi32, #tpu.memory_space<vmem>>
        %dma_start3A_53 = tpu.memref_squeeze %dma_start3A_52 : memref<1x1x128xi32, #tpu.memory_space<vmem>> -> memref<1x128xi32, #tpu.memory_space<vmem>>
        %dma_start3A_54 = arith.constant 0 : i32
        %dma_start3A_55 = tpu.memref_slice %arg3[%dma_start3A_54, %mul3A_50] : memref<1x1024xi32, #tpu.memory_space<hbm>> -> memref<1x128xi32, #tpu.memory_space<hbm>>
        %dma_start3A_56 = tpu.memref_slice %run_scoped3A_10[%rem3A_48] : memref<2x!tpu.dma_semaphore, #tpu.memory_space<semaphore_mem>> -> memref<1x!tpu.dma_semaphore, #tpu.memory_space<semaphore_mem>>
        %dma_start3A_57 = tpu.memref_squeeze %dma_start3A_56 : memref<1x!tpu.dma_semaphore, #tpu.memory_space<semaphore_mem>> -> memref<!tpu.dma_semaphore, #tpu.memory_space<semaphore_mem>>
        %dma_start3A_58 = arith.constant 0 : i32
        %dma_start3A_59 = arith.constant 0 : i32
        %dma_start3A_60 = tpu.memref_slice %run_scoped3A[%rem3A_48, %dma_start3A_58, %dma_start3A_59] : memref<2x1x128xi32, #tpu.memory_space<vmem>> -> memref<1x1x128xi32, #tpu.memory_space<vmem>>
        %dma_start3A_61 = tpu.memref_squeeze %dma_start3A_60 : memref<1x1x128xi32, #tpu.memory_space<vmem>> -> memref<1x128xi32, #tpu.memory_space<vmem>>
        %dma_start3A_62 = arith.constant 0 : i32
        %dma_start3A_63 = tpu.memref_slice %arg3[%dma_start3A_62, %mul3A_50] : memref<1x1024xi32, #tpu.memory_space<hbm>> -> memref<1x128xi32, #tpu.memory_space<hbm>>
        tpu.enqueue_dma source(%dma_start3A_63 : memref<1x128xi32, #tpu.memory_space<hbm>>) target(%dma_start3A_61 : memref<1x128xi32, #tpu.memory_space<vmem>>) target_semaphore(%dma_start3A_57 : memref<!tpu.dma_semaphore, #tpu.memory_space<semaphore_mem>>)
        %add3A_64 = arith.constant 0 : i32
        %add3A_65 = arith.constant 1 : i32
        %add3A_66 = arith.addi %add3A_64, %add3A_65 : i32
        %select_n3A_67 = arith.constant true
        %select_n3A_68 = arith.constant 0 : i32
        %select_n3A_69 = arith.select %select_n3A_67, %add3A_66, %select_n3A_68 : i32
        %while3A = arith.constant 0 : i32
        %while3A_70 = arith.constant 0 : i32
        %while3A_71 = arith.constant 0 : i32
        %while3A_72 = arith.constant 0 : i32
        %while3A_73 = arith.constant 0 : i32
        "tpu.trace_stop"() : () -> ()
        %while3A_74 = arith.subi %mul3A_9, %while3A : i32
        %while3A_75 = arith.addi %while3A, %while3A_74 : i32
        %while3A_76 = arith.constant 1 : i32
        %while3A_77 = arith.divsi %while3A_74, %while3A_76 : i32
        %while3A_78 = arith.muli %while3A_77, %while3A_76 : i32
        %while3A_79 = arith.addi %while3A, %while3A_78 : i32
        %while3A_80 = arith.constant 1 : i32
        %while3A_81:5 = scf.for %while3A_135 = %while3A to %while3A_79 step %while3A_80 iter_args(%while3A_136 = %select_n3A_69, %while3A_137 = %while3A_70, %while3A_138 = %while3A_71, %while3A_139 = %while3A_72, %while3A_140 = %while3A_73) -> (i32, i32, i32, i32, i32)  : i32 {
          %mul3A_141 = arith.constant 1 : i32
          %mul3A_142 = arith.muli %mul3A_141, %select_n3A : i32
          %eq3A_143 = arith.constant 0 : i32
          %eq3A_144 = arith.cmpi eq, %while3A_135, %eq3A_143 : i32
          %sub3A_145 = arith.constant 1 : i32
          %sub3A_146 = arith.subi %mul3A_142, %sub3A_145 : i32
          %eq3A_147 = arith.cmpi eq, %while3A_135, %sub3A_146 : i32
          %add3A_148 = arith.addi %while3A_140, %select_n3A_7 : i32
          %sub3A_149 = arith.constant 1 : i32
          %sub3A_150 = arith.subi %while3A_140, %sub3A_149 : i32
          %select_n3A_151 = arith.constant true
          %select_n3A_152 = arith.select %select_n3A_151, %sub3A_150, %while3A_140 : i32
          %eq3A_153 = arith.constant -1 : i32
          %eq3A_154 = arith.cmpi eq, %select_n3A_152, %eq3A_153 : i32
          %sub3A_155 = arith.constant 1 : i32
          %sub3A_156 = arith.subi %select_n3A, %sub3A_155 : i32
          %select_n3A_157 = arith.select %eq3A_154, %sub3A_156, %select_n3A_152 : i32
          %add3A_158 = arith.addi %select_n3A_157, %select_n3A_7 : i32
          %add3A_159 = arith.constant 1 : i32
          %add3A_160 = arith.addi %while3A_140, %add3A_159 : i32
          %select_n3A_161 = arith.constant true
          %select_n3A_162 = arith.select %select_n3A_161, %add3A_160, %while3A_140 : i32
          %eq3A_163 = arith.cmpi eq, %select_n3A_162, %select_n3A : i32
          %select_n3A_164 = arith.constant 0 : i32
          %select_n3A_165 = arith.select %eq3A_163, %select_n3A_164, %select_n3A_162 : i32
          %add3A_166 = arith.addi %select_n3A_165, %select_n3A_7 : i32
          %add3A_167 = arith.constant 1 : i32
          %add3A_168 = arith.addi %select_n3A_165, %add3A_167 : i32
          %select_n3A_169 = arith.constant true
          %select_n3A_170 = arith.select %select_n3A_169, %add3A_168, %select_n3A_165 : i32
          %eq3A_171 = arith.cmpi eq, %select_n3A_170, %select_n3A : i32
          %select_n3A_172 = arith.constant 0 : i32
          %select_n3A_173 = arith.select %eq3A_171, %select_n3A_172, %select_n3A_170 : i32
          %add3A_174 = arith.addi %select_n3A_173, %select_n3A_7 : i32
          %ne3A = arith.cmpi ne, %add3A_148, %add3A_166 : i32
          %or3A = arith.constant false
          %or3A_175 = arith.ori %or3A, %ne3A : i1
          %sub3A_176 = arith.constant 2 : i32
          %sub3A_177 = arith.subi %mul3A_142, %sub3A_176 : i32
          %add3A_178 = arith.constant 1 : i32
          %add3A_179 = arith.addi %sub3A_177, %add3A_178 : i32
          %ge3A = arith.cmpi sge, %while3A_135, %add3A_179 : i32
          %not3A = arith.constant true
          %not3A_180 = arith.xori %ge3A, %not3A : i1
          %and3A = arith.andi %or3A_175, %not3A_180 : i1
          %convert_element_type3A_181 = arith.extui %and3A : i1 to i32
          %cond3A_182 = arith.constant 0 : i32
          %cond3A_183 = arith.cmpi ne, %convert_element_type3A_181, %cond3A_182 : i32
          scf.if %cond3A_183 {
            "tpu.trace_start"() <{level = 10 : i32, message = "ep_copy_in"}> : () -> ()
            %rem3A_287 = arith.constant 2 : i32
            %rem3A_288 = arith.remui %while3A_136, %rem3A_287 : i32
            %mul3A_289 = arith.constant 128 : i32
            %mul3A_290 = arith.muli %mul3A_289, %add3A_166 : i32
            %dma_start3A_291 = arith.constant 0 : i32
            %dma_start3A_292 = arith.constant 0 : i32
            %dma_start3A_293 = tpu.memref_slice %run_scoped3A[%rem3A_288, %dma_start3A_291, %dma_start3A_292] : memref<2x1x128xi32, #tpu.memory_space<vmem>> -> memref<1x1x128xi32, #tpu.memory_space<vmem>>
            %dma_start3A_294 = tpu.memref_squeeze %dma_start3A_293 : memref<1x1x128xi32, #tpu.memory_space<vmem>> -> memref<1x128xi32, #tpu.memory_space<vmem>>
            %dma_start3A_295 = arith.constant 0 : i32
            %dma_start3A_296 = tpu.memref_slice %arg3[%dma_start3A_295, %mul3A_290] : memref<1x1024xi32, #tpu.memory_space<hbm>> -> memref<1x128xi32, #tpu.memory_space<hbm>>
            %dma_start3A_297 = tpu.memref_slice %run_scoped3A_10[%rem3A_288] : memref<2x!tpu.dma_semaphore, #tpu.memory_space<semaphore_mem>> -> memref<1x!tpu.dma_semaphore, #tpu.memory_space<semaphore_mem>>
            %dma_start3A_298 = tpu.memref_squeeze %dma_start3A_297 : memref<1x!tpu.dma_semaphore, #tpu.memory_space<semaphore_mem>> -> memref<!tpu.dma_semaphore, #tpu.memory_space<semaphore_mem>>
            %dma_start3A_299 = arith.constant 0 : i32
            %dma_start3A_300 = arith.constant 0 : i32
            %dma_start3A_301 = tpu.memref_slice %run_scoped3A[%rem3A_288, %dma_start3A_299, %dma_start3A_300] : memref<2x1x128xi32, #tpu.memory_space<vmem>> -> memref<1x1x128xi32, #tpu.memory_space<vmem>>
            %dma_start3A_302 = tpu.memref_squeeze %dma_start3A_301 : memref<1x1x128xi32, #tpu.memory_space<vmem>> -> memref<1x128xi32, #tpu.memory_space<vmem>>
            %dma_start3A_303 = arith.constant 0 : i32
            %dma_start3A_304 = tpu.memref_slice %arg3[%dma_start3A_303, %mul3A_290] : memref<1x1024xi32, #tpu.memory_space<hbm>> -> memref<1x128xi32, #tpu.memory_space<hbm>>
            tpu.enqueue_dma source(%dma_start3A_304 : memref<1x128xi32, #tpu.memory_space<hbm>>) target(%dma_start3A_302 : memref<1x128xi32, #tpu.memory_space<vmem>>) target_semaphore(%dma_start3A_298 : memref<!tpu.dma_semaphore, #tpu.memory_space<semaphore_mem>>)
            "tpu.trace_stop"() : () -> ()
          } else {
          }
          %and3A_184 = arith.constant true
          %and3A_185 = arith.andi %and3A, %and3A_184 : i1
          %add3A_186 = arith.constant 1 : i32
          %add3A_187 = arith.addi %while3A_136, %add3A_186 : i32
          %select_n3A_188 = arith.select %and3A_185, %add3A_187, %while3A_136 : i32
          %ne3A_189 = arith.cmpi ne, %add3A_148, %add3A_166 : i32
          %or3A_190 = arith.constant false
          %or3A_191 = arith.ori %or3A_190, %ne3A_189 : i1
          %or3A_192 = arith.constant false
          %or3A_193 = arith.ori %or3A_191, %or3A_192 : i1
          %sub3A_194 = arith.constant 2 : i32
          %sub3A_195 = arith.subi %mul3A_142, %sub3A_194 : i32
          %add3A_196 = arith.constant 1 : i32
          %add3A_197 = arith.addi %sub3A_195, %add3A_196 : i32
          %ge3A_198 = arith.cmpi sge, %while3A_135, %add3A_197 : i32
          %not3A_199 = arith.constant true
          %not3A_200 = arith.xori %ge3A_198, %not3A_199 : i1
          %and3A_201 = arith.andi %or3A_193, %not3A_200 : i1
          %ne3A_202 = arith.cmpi ne, %add3A_148, %add3A_158 : i32
          %or3A_203 = arith.constant false
          %or3A_204 = arith.ori %or3A_203, %ne3A_202 : i1
          %or3A_205 = arith.ori %or3A_204, %eq3A_144 : i1
          %convert_element_type3A_206 = arith.extui %or3A_205 : i1 to i32
          %cond3A_207 = arith.constant 0 : i32
          %cond3A_208 = arith.cmpi ne, %convert_element_type3A_206, %cond3A_207 : i32
          scf.if %cond3A_208 {
            "tpu.trace_start"() <{level = 10 : i32, message = "ep_wait_in"}> : () -> ()
            %mul3A_287 = arith.constant 128 : i32
            %mul3A_288 = arith.muli %mul3A_287, %add3A_148 : i32
            %rem3A_289 = arith.constant 2 : i32
            %rem3A_290 = arith.remui %while3A_137, %rem3A_289 : i32
            %dma_wait3A = arith.constant 0 : i32
            %dma_wait3A_291 = arith.constant 0 : i32
            %dma_wait3A_292 = tpu.memref_slice %run_scoped3A[%rem3A_290, %dma_wait3A, %dma_wait3A_291] : memref<2x1x128xi32, #tpu.memory_space<vmem>> -> memref<1x1x128xi32, #tpu.memory_space<vmem>>
            %dma_wait3A_293 = tpu.memref_squeeze %dma_wait3A_292 : memref<1x1x128xi32, #tpu.memory_space<vmem>> -> memref<1x128xi32, #tpu.memory_space<vmem>>
            %dma_wait3A_294 = arith.constant 0 : i32
            %dma_wait3A_295 = tpu.memref_slice %arg3[%dma_wait3A_294, %mul3A_288] : memref<1x1024xi32, #tpu.memory_space<hbm>> -> memref<1x128xi32, #tpu.memory_space<hbm>>
            %dma_wait3A_296 = tpu.memref_slice %run_scoped3A_10[%rem3A_290] : memref<2x!tpu.dma_semaphore, #tpu.memory_space<semaphore_mem>> -> memref<1x!tpu.dma_semaphore, #tpu.memory_space<semaphore_mem>>
            %dma_wait3A_297 = tpu.memref_squeeze %dma_wait3A_296 : memref<1x!tpu.dma_semaphore, #tpu.memory_space<semaphore_mem>> -> memref<!tpu.dma_semaphore, #tpu.memory_space<semaphore_mem>>
            %dma_wait3A_298 = arith.constant 0 : i32
            %dma_wait3A_299 = arith.constant 0 : i32
            %dma_wait3A_300 = tpu.memref_slice %run_scoped3A[%rem3A_290, %dma_wait3A_298, %dma_wait3A_299] : memref<2x1x128xi32, #tpu.memory_space<vmem>> -> memref<1x1x128xi32, #tpu.memory_space<vmem>>
            %dma_wait3A_301 = tpu.memref_squeeze %dma_wait3A_300 : memref<1x1x128xi32, #tpu.memory_space<vmem>> -> memref<1x128xi32, #tpu.memory_space<vmem>>
            %dma_wait3A_302 = arith.constant 0 : i32
            %dma_wait3A_303 = tpu.memref_slice %arg3[%dma_wait3A_302, %mul3A_288] : memref<1x1024xi32, #tpu.memory_space<hbm>> -> memref<1x128xi32, #tpu.memory_space<hbm>>
            tpu.wait_dma2 semaphore(%dma_wait3A_297 : memref<!tpu.dma_semaphore, #tpu.memory_space<semaphore_mem>>) src(%dma_wait3A_303 : memref<1x128xi32, #tpu.memory_space<hbm>>) dst(%dma_wait3A_301 : memref<1x128xi32, #tpu.memory_space<vmem>>)
            "tpu.trace_stop"() : () -> ()
          } else {
          }
          %ne3A_209 = arith.cmpi ne, %add3A_148, %add3A_158 : i32
          %or3A_210 = arith.constant false
          %or3A_211 = arith.ori %or3A_210, %ne3A_209 : i1
          %or3A_212 = arith.constant false
          %or3A_213 = arith.ori %or3A_211, %or3A_212 : i1
          %or3A_214 = arith.ori %or3A_213, %eq3A_144 : i1
          %convert_element_type3A_215 = arith.extui %or3A_214 : i1 to i32
          %cond3A_216 = arith.constant 0 : i32
          %cond3A_217 = arith.cmpi ne, %convert_element_type3A_215, %cond3A_216 : i32
          scf.if %cond3A_217 {
          } else {
          }
          %rem3A_218 = arith.constant 2 : i32
          %rem3A_219 = arith.remui %while3A_137, %rem3A_218 : i32
          %rem3A_220 = arith.constant 2 : i32
          %rem3A_221 = arith.remui %while3A_138, %rem3A_220 : i32
          %run_scoped3A_222 = arith.constant 0 : i32
          "tpu.trace_start"() <{level = 10 : i32, message = "ep_run_kernel"}> : () -> ()
          "tpu.region"() ({
            %run_scoped3A_287 = tpu.sem_alloc : memref<!tpu.dma_semaphore, #tpu.memory_space<semaphore_mem>>
            %dma_start3A_288 = arith.constant 0 : i32
            %dma_start3A_289 = arith.constant 0 : i32
            %dma_start3A_290 = tpu.memref_slice %run_scoped3A_11[%rem3A_221, %dma_start3A_288, %dma_start3A_289] : memref<2x128x128xf32, #tpu.memory_space<vmem>> -> memref<1x128x128xf32, #tpu.memory_space<vmem>>
            %dma_start3A_291 = tpu.memref_squeeze %dma_start3A_290 : memref<1x128x128xf32, #tpu.memory_space<vmem>> -> memref<128x128xf32, #tpu.memory_space<vmem>>
            %dma_start3A_292 = arith.constant 0 : i32
            %dma_start3A_293 = arith.constant 0 : i32
            %dma_start3A_294 = tpu.memref_slice %run_scoped3A[%rem3A_219, %dma_start3A_292, %dma_start3A_293] : memref<2x1x128xi32, #tpu.memory_space<vmem>> -> memref<1x1x128xi32, #tpu.memory_space<vmem>>
            %dma_start3A_295 = tpu.memref_squeeze %dma_start3A_294 : memref<1x1x128xi32, #tpu.memory_space<vmem>> -> memref<1x128xi32, #tpu.memory_space<vmem>>
            %dma_start3A_296 = arith.constant 0 : i32
            %dma_start3A_297 = tpu.memref_slice %dma_start3A_295[%run_scoped3A_222, %dma_start3A_296] : memref<1x128xi32, #tpu.memory_space<vmem>> -> memref<1x128xi32, #tpu.memory_space<vmem>>
            %dma_start3A_298 = tpu.memref_squeeze %dma_start3A_297 : memref<1x128xi32, #tpu.memory_space<vmem>> -> memref<128xi32, #tpu.memory_space<vmem>>
            %dma_start3A_299 = arith.constant 0 : i32
            %dma_start3A_300 = arith.constant 0 : i32
            %dma_start3A_301 = tpu.memref_slice %arg2[%dma_start3A_299, %dma_start3A_300] : memref<100000x128xf32, #tpu.memory_space<hbm>> -> memref<100000x128xf32, #tpu.memory_space<hbm>>
            tpu.enqueue_indirect_dma source(%dma_start3A_301 : memref<100000x128xf32, #tpu.memory_space<hbm>>) target(%dma_start3A_291 : memref<128x128xf32, #tpu.memory_space<vmem>>) offsets(%dma_start3A_298 : memref<128xi32, #tpu.memory_space<vmem>>) semaphore(%run_scoped3A_287 : memref<!tpu.dma_semaphore, #tpu.memory_space<semaphore_mem>>)
            %dma_wait3A = arith.constant 0 : i32
            %dma_wait3A_302 = arith.constant 0 : i32
            %dma_wait3A_303 = tpu.memref_slice %run_scoped3A_11[%rem3A_221, %dma_wait3A, %dma_wait3A_302] : memref<2x128x128xf32, #tpu.memory_space<vmem>> -> memref<1x128x128xf32, #tpu.memory_space<vmem>>
            %dma_wait3A_304 = tpu.memref_squeeze %dma_wait3A_303 : memref<1x128x128xf32, #tpu.memory_space<vmem>> -> memref<128x128xf32, #tpu.memory_space<vmem>>
            %dma_wait3A_305 = arith.constant 0 : i32
            %dma_wait3A_306 = arith.constant 0 : i32
            %dma_wait3A_307 = tpu.memref_slice %run_scoped3A[%rem3A_219, %dma_wait3A_305, %dma_wait3A_306] : memref<2x1x128xi32, #tpu.memory_space<vmem>> -> memref<1x1x128xi32, #tpu.memory_space<vmem>>
            %dma_wait3A_308 = tpu.memref_squeeze %dma_wait3A_307 : memref<1x1x128xi32, #tpu.memory_space<vmem>> -> memref<1x128xi32, #tpu.memory_space<vmem>>
            %dma_wait3A_309 = arith.constant 0 : i32
            %dma_wait3A_310 = tpu.memref_slice %dma_wait3A_308[%run_scoped3A_222, %dma_wait3A_309] : memref<1x128xi32, #tpu.memory_space<vmem>> -> memref<1x128xi32, #tpu.memory_space<vmem>>
            %dma_wait3A_311 = tpu.memref_squeeze %dma_wait3A_310 : memref<1x128xi32, #tpu.memory_space<vmem>> -> memref<128xi32, #tpu.memory_space<vmem>>
            %dma_wait3A_312 = arith.constant 0 : i32
            %dma_wait3A_313 = arith.constant 0 : i32
            %dma_wait3A_314 = tpu.memref_slice %arg2[%dma_wait3A_312, %dma_wait3A_313] : memref<100000x128xf32, #tpu.memory_space<hbm>> -> memref<100000x128xf32, #tpu.memory_space<hbm>>
            tpu.wait_indirect_dma semaphore(%run_scoped3A_287 : memref<!tpu.dma_semaphore, #tpu.memory_space<semaphore_mem>>) src(%dma_wait3A_314 : memref<100000x128xf32, #tpu.memory_space<hbm>>) dst(%dma_wait3A_304 : memref<128x128xf32, #tpu.memory_space<vmem>>)
            tpu.yield
          }) : () -> ()
          "tpu.trace_stop"() : () -> ()
          %ne3A_223 = arith.cmpi ne, %add3A_148, %add3A_166 : i32
          %or3A_224 = arith.constant false
          %or3A_225 = arith.ori %or3A_224, %ne3A_223 : i1
          %or3A_226 = arith.ori %or3A_225, %eq3A_147 : i1
          %convert_element_type3A_227 = arith.extui %or3A_226 : i1 to i32
          %cond3A_228 = arith.constant 0 : i32
          %cond3A_229 = arith.cmpi ne, %convert_element_type3A_227, %cond3A_228 : i32
          scf.if %cond3A_229 {
          } else {
          }
          %and3A_230 = arith.constant false
          %and3A_231 = arith.andi %or3A_226, %and3A_230 : i1
          %ne3A_232 = arith.cmpi ne, %add3A_148, %add3A_166 : i32
          %or3A_233 = arith.constant false
          %or3A_234 = arith.ori %or3A_233, %ne3A_232 : i1
          %or3A_235 = arith.constant false
          %or3A_236 = arith.ori %or3A_234, %or3A_235 : i1
          %or3A_237 = arith.ori %or3A_236, %eq3A_147 : i1
          %convert_element_type3A_238 = arith.extui %or3A_237 : i1 to i32
          %cond3A_239 = arith.constant 0 : i32
          %cond3A_240 = arith.cmpi ne, %convert_element_type3A_238, %cond3A_239 : i32
          scf.if %cond3A_240 {
            "tpu.trace_start"() <{level = 10 : i32, message = "ep_copy_out"}> : () -> ()
            %rem3A_287 = arith.constant 2 : i32
            %rem3A_288 = arith.remui %while3A_138, %rem3A_287 : i32
            %mul3A_289 = arith.constant 128 : i32
            %mul3A_290 = arith.muli %mul3A_289, %add3A_148 : i32
            %dma_start3A_291 = arith.constant 0 : i32
            %dma_start3A_292 = arith.constant 0 : i32
            %dma_start3A_293 = tpu.memref_slice %run_scoped3A_11[%rem3A_288, %dma_start3A_291, %dma_start3A_292] : memref<2x128x128xf32, #tpu.memory_space<vmem>> -> memref<1x128x128xf32, #tpu.memory_space<vmem>>
            %dma_start3A_294 = tpu.memref_squeeze %dma_start3A_293 : memref<1x128x128xf32, #tpu.memory_space<vmem>> -> memref<128x128xf32, #tpu.memory_space<vmem>>
            %dma_start3A_295 = arith.constant 0 : i32
            %dma_start3A_296 = tpu.memref_slice %arg4[%mul3A_290, %dma_start3A_295] : memref<1024x128xf32, #tpu.memory_space<hbm>> -> memref<128x128xf32, #tpu.memory_space<hbm>>
            %dma_start3A_297 = tpu.memref_slice %run_scoped3A_12[%rem3A_288] : memref<2x!tpu.dma_semaphore, #tpu.memory_space<semaphore_mem>> -> memref<1x!tpu.dma_semaphore, #tpu.memory_space<semaphore_mem>>
            %dma_start3A_298 = tpu.memref_squeeze %dma_start3A_297 : memref<1x!tpu.dma_semaphore, #tpu.memory_space<semaphore_mem>> -> memref<!tpu.dma_semaphore, #tpu.memory_space<semaphore_mem>>
            %dma_start3A_299 = arith.constant 0 : i32
            %dma_start3A_300 = tpu.memref_slice %arg4[%mul3A_290, %dma_start3A_299] : memref<1024x128xf32, #tpu.memory_space<hbm>> -> memref<128x128xf32, #tpu.memory_space<hbm>>
            %dma_start3A_301 = arith.constant 0 : i32
            %dma_start3A_302 = arith.constant 0 : i32
            %dma_start3A_303 = tpu.memref_slice %run_scoped3A_11[%rem3A_288, %dma_start3A_301, %dma_start3A_302] : memref<2x128x128xf32, #tpu.memory_space<vmem>> -> memref<1x128x128xf32, #tpu.memory_space<vmem>>
            %dma_start3A_304 = tpu.memref_squeeze %dma_start3A_303 : memref<1x128x128xf32, #tpu.memory_space<vmem>> -> memref<128x128xf32, #tpu.memory_space<vmem>>
            tpu.enqueue_dma source(%dma_start3A_304 : memref<128x128xf32, #tpu.memory_space<vmem>>) target(%dma_start3A_300 : memref<128x128xf32, #tpu.memory_space<hbm>>) target_semaphore(%dma_start3A_298 : memref<!tpu.dma_semaphore, #tpu.memory_space<semaphore_mem>>)
            "tpu.trace_stop"() : () -> ()
          } else {
          }
          %and3A_241 = arith.constant true
          %and3A_242 = arith.andi %or3A_237, %and3A_241 : i1
          %add3A_243 = arith.constant 1 : i32
          %add3A_244 = arith.addi %while3A_138, %add3A_243 : i32
          %select_n3A_245 = arith.select %and3A_242, %add3A_244, %while3A_138 : i32
          %ne3A_246 = arith.cmpi ne, %add3A_148, %add3A_158 : i32
          %or3A_247 = arith.constant false
          %or3A_248 = arith.ori %or3A_247, %ne3A_246 : i1
          %not3A_249 = arith.constant true
          %not3A_250 = arith.xori %eq3A_144, %not3A_249 : i1
          %and3A_251 = arith.andi %or3A_248, %not3A_250 : i1
          %convert_element_type3A_252 = arith.extui %and3A_251 : i1 to i32
          %cond3A_253 = arith.constant 0 : i32
          %cond3A_254 = arith.cmpi ne, %convert_element_type3A_252, %cond3A_253 : i32
          scf.if %cond3A_254 {
          } else {
          }
          %and3A_255 = arith.constant false
          %and3A_256 = arith.andi %and3A_251, %and3A_255 : i1
          %ne3A_257 = arith.cmpi ne, %add3A_148, %add3A_158 : i32
          %or3A_258 = arith.constant false
          %or3A_259 = arith.ori %or3A_258, %ne3A_257 : i1
          %or3A_260 = arith.constant false
          %or3A_261 = arith.ori %or3A_259, %or3A_260 : i1
          %not3A_262 = arith.constant true
          %not3A_263 = arith.xori %eq3A_144, %not3A_262 : i1
          %and3A_264 = arith.andi %or3A_261, %not3A_263 : i1
          %convert_element_type3A_265 = arith.extui %and3A_264 : i1 to i32
          %cond3A_266 = arith.constant 0 : i32
          %cond3A_267 = arith.cmpi ne, %convert_element_type3A_265, %cond3A_266 : i32
          scf.if %cond3A_267 {
            "tpu.trace_start"() <{level = 10 : i32, message = "ep_wait_out"}> : () -> ()
            %rem3A_287 = arith.constant 2 : i32
            %rem3A_288 = arith.remui %while3A_139, %rem3A_287 : i32
            %mul3A_289 = arith.constant 128 : i32
            %mul3A_290 = arith.muli %mul3A_289, %add3A_158 : i32
            %dma_wait3A = arith.constant 0 : i32
            %dma_wait3A_291 = arith.constant 0 : i32
            %dma_wait3A_292 = tpu.memref_slice %run_scoped3A_11[%rem3A_288, %dma_wait3A, %dma_wait3A_291] : memref<2x128x128xf32, #tpu.memory_space<vmem>> -> memref<1x128x128xf32, #tpu.memory_space<vmem>>
            %dma_wait3A_293 = tpu.memref_squeeze %dma_wait3A_292 : memref<1x128x128xf32, #tpu.memory_space<vmem>> -> memref<128x128xf32, #tpu.memory_space<vmem>>
            %dma_wait3A_294 = arith.constant 0 : i32
            %dma_wait3A_295 = tpu.memref_slice %arg4[%mul3A_290, %dma_wait3A_294] : memref<1024x128xf32, #tpu.memory_space<hbm>> -> memref<128x128xf32, #tpu.memory_space<hbm>>
            %dma_wait3A_296 = tpu.memref_slice %run_scoped3A_12[%rem3A_288] : memref<2x!tpu.dma_semaphore, #tpu.memory_space<semaphore_mem>> -> memref<1x!tpu.dma_semaphore, #tpu.memory_space<semaphore_mem>>
            %dma_wait3A_297 = tpu.memref_squeeze %dma_wait3A_296 : memref<1x!tpu.dma_semaphore, #tpu.memory_space<semaphore_mem>> -> memref<!tpu.dma_semaphore, #tpu.memory_space<semaphore_mem>>
            %dma_wait3A_298 = arith.constant 0 : i32
            %dma_wait3A_299 = tpu.memref_slice %arg4[%mul3A_290, %dma_wait3A_298] : memref<1024x128xf32, #tpu.memory_space<hbm>> -> memref<128x128xf32, #tpu.memory_space<hbm>>
            %dma_wait3A_300 = arith.constant 0 : i32
            %dma_wait3A_301 = arith.constant 0 : i32
            %dma_wait3A_302 = tpu.memref_slice %run_scoped3A_11[%rem3A_288, %dma_wait3A_300, %dma_wait3A_301] : memref<2x128x128xf32, #tpu.memory_space<vmem>> -> memref<1x128x128xf32, #tpu.memory_space<vmem>>
            %dma_wait3A_303 = tpu.memref_squeeze %dma_wait3A_302 : memref<1x128x128xf32, #tpu.memory_space<vmem>> -> memref<128x128xf32, #tpu.memory_space<vmem>>
            tpu.wait_dma2 semaphore(%dma_wait3A_297 : memref<!tpu.dma_semaphore, #tpu.memory_space<semaphore_mem>>) src(%dma_wait3A_303 : memref<128x128xf32, #tpu.memory_space<vmem>>) dst(%dma_wait3A_299 : memref<128x128xf32, #tpu.memory_space<hbm>>)
            "tpu.trace_stop"() : () -> ()
          } else {
          }
          %and3A_268 = arith.constant true
          %and3A_269 = arith.andi %and3A_264, %and3A_268 : i1
          %add3A_270 = arith.constant 1 : i32
          %add3A_271 = arith.addi %while3A_139, %add3A_270 : i32
          %select_n3A_272 = arith.select %and3A_269, %add3A_271, %while3A_139 : i32
          %ne3A_273 = arith.cmpi ne, %add3A_148, %add3A_166 : i32
          %or3A_274 = arith.constant false
          %or3A_275 = arith.ori %or3A_274, %ne3A_273 : i1
          %or3A_276 = arith.ori %or3A_275, %eq3A_147 : i1
          %add3A_277 = arith.constant 1 : i32
          %add3A_278 = arith.addi %while3A_137, %add3A_277 : i32
          %select_n3A_279 = arith.select %or3A_276, %add3A_278, %while3A_137 : i32
          %add3A_280 = arith.constant 1 : i32
          %add3A_281 = arith.addi %while3A_140, %add3A_280 : i32
          %select_n3A_282 = arith.constant true
          %select_n3A_283 = arith.select %select_n3A_282, %add3A_281, %while3A_140 : i32
          %eq3A_284 = arith.cmpi eq, %select_n3A_283, %select_n3A : i32
          %select_n3A_285 = arith.constant 0 : i32
          %select_n3A_286 = arith.select %eq3A_284, %select_n3A_285, %select_n3A_283 : i32
          scf.yield %select_n3A_188, %select_n3A_279, %select_n3A_245, %select_n3A_272, %select_n3A_286 : i32, i32, i32, i32, i32
        }
        %while3A_82 = arith.constant 1 : i32
        %while3A_83:5 = scf.for %while3A_135 = %while3A_79 to %while3A_75 step %while3A_82 iter_args(%while3A_136 = %while3A_81#0, %while3A_137 = %while3A_81#1, %while3A_138 = %while3A_81#2, %while3A_139 = %while3A_81#3, %while3A_140 = %while3A_81#4) -> (i32, i32, i32, i32, i32)  : i32 {
          %mul3A_141 = arith.constant 1 : i32
          %mul3A_142 = arith.muli %mul3A_141, %select_n3A : i32
          %eq3A_143 = arith.constant 0 : i32
          %eq3A_144 = arith.cmpi eq, %while3A_135, %eq3A_143 : i32
          %sub3A_145 = arith.constant 1 : i32
          %sub3A_146 = arith.subi %mul3A_142, %sub3A_145 : i32
          %eq3A_147 = arith.cmpi eq, %while3A_135, %sub3A_146 : i32
          %add3A_148 = arith.addi %while3A_140, %select_n3A_7 : i32
          %sub3A_149 = arith.constant 1 : i32
          %sub3A_150 = arith.subi %while3A_140, %sub3A_149 : i32
          %select_n3A_151 = arith.constant true
          %select_n3A_152 = arith.select %select_n3A_151, %sub3A_150, %while3A_140 : i32
          %eq3A_153 = arith.constant -1 : i32
          %eq3A_154 = arith.cmpi eq, %select_n3A_152, %eq3A_153 : i32
          %sub3A_155 = arith.constant 1 : i32
          %sub3A_156 = arith.subi %select_n3A, %sub3A_155 : i32
          %select_n3A_157 = arith.select %eq3A_154, %sub3A_156, %select_n3A_152 : i32
          %add3A_158 = arith.addi %select_n3A_157, %select_n3A_7 : i32
          %add3A_159 = arith.constant 1 : i32
          %add3A_160 = arith.addi %while3A_140, %add3A_159 : i32
          %select_n3A_161 = arith.constant true
          %select_n3A_162 = arith.select %select_n3A_161, %add3A_160, %while3A_140 : i32
          %eq3A_163 = arith.cmpi eq, %select_n3A_162, %select_n3A : i32
          %select_n3A_164 = arith.constant 0 : i32
          %select_n3A_165 = arith.select %eq3A_163, %select_n3A_164, %select_n3A_162 : i32
          %add3A_166 = arith.addi %select_n3A_165, %select_n3A_7 : i32
          %add3A_167 = arith.constant 1 : i32
          %add3A_168 = arith.addi %select_n3A_165, %add3A_167 : i32
          %select_n3A_169 = arith.constant true
          %select_n3A_170 = arith.select %select_n3A_169, %add3A_168, %select_n3A_165 : i32
          %eq3A_171 = arith.cmpi eq, %select_n3A_170, %select_n3A : i32
          %select_n3A_172 = arith.constant 0 : i32
          %select_n3A_173 = arith.select %eq3A_171, %select_n3A_172, %select_n3A_170 : i32
          %add3A_174 = arith.addi %select_n3A_173, %select_n3A_7 : i32
          %ne3A = arith.cmpi ne, %add3A_148, %add3A_166 : i32
          %or3A = arith.constant false
          %or3A_175 = arith.ori %or3A, %ne3A : i1
          %sub3A_176 = arith.constant 2 : i32
          %sub3A_177 = arith.subi %mul3A_142, %sub3A_176 : i32
          %add3A_178 = arith.constant 1 : i32
          %add3A_179 = arith.addi %sub3A_177, %add3A_178 : i32
          %ge3A = arith.cmpi sge, %while3A_135, %add3A_179 : i32
          %not3A = arith.constant true
          %not3A_180 = arith.xori %ge3A, %not3A : i1
          %and3A = arith.andi %or3A_175, %not3A_180 : i1
          %convert_element_type3A_181 = arith.extui %and3A : i1 to i32
          %cond3A_182 = arith.constant 0 : i32
          %cond3A_183 = arith.cmpi ne, %convert_element_type3A_181, %cond3A_182 : i32
          scf.if %cond3A_183 {
            "tpu.trace_start"() <{level = 10 : i32, message = "ep_copy_in"}> : () -> ()
            %rem3A_287 = arith.constant 2 : i32
            %rem3A_288 = arith.remui %while3A_136, %rem3A_287 : i32
            %mul3A_289 = arith.constant 128 : i32
            %mul3A_290 = arith.muli %mul3A_289, %add3A_166 : i32
            %dma_start3A_291 = arith.constant 0 : i32
            %dma_start3A_292 = arith.constant 0 : i32
            %dma_start3A_293 = tpu.memref_slice %run_scoped3A[%rem3A_288, %dma_start3A_291, %dma_start3A_292] : memref<2x1x128xi32, #tpu.memory_space<vmem>> -> memref<1x1x128xi32, #tpu.memory_space<vmem>>
            %dma_start3A_294 = tpu.memref_squeeze %dma_start3A_293 : memref<1x1x128xi32, #tpu.memory_space<vmem>> -> memref<1x128xi32, #tpu.memory_space<vmem>>
            %dma_start3A_295 = arith.constant 0 : i32
            %dma_start3A_296 = tpu.memref_slice %arg3[%dma_start3A_295, %mul3A_290] : memref<1x1024xi32, #tpu.memory_space<hbm>> -> memref<1x128xi32, #tpu.memory_space<hbm>>
            %dma_start3A_297 = tpu.memref_slice %run_scoped3A_10[%rem3A_288] : memref<2x!tpu.dma_semaphore, #tpu.memory_space<semaphore_mem>> -> memref<1x!tpu.dma_semaphore, #tpu.memory_space<semaphore_mem>>
            %dma_start3A_298 = tpu.memref_squeeze %dma_start3A_297 : memref<1x!tpu.dma_semaphore, #tpu.memory_space<semaphore_mem>> -> memref<!tpu.dma_semaphore, #tpu.memory_space<semaphore_mem>>
            %dma_start3A_299 = arith.constant 0 : i32
            %dma_start3A_300 = arith.constant 0 : i32
            %dma_start3A_301 = tpu.memref_slice %run_scoped3A[%rem3A_288, %dma_start3A_299, %dma_start3A_300] : memref<2x1x128xi32, #tpu.memory_space<vmem>> -> memref<1x1x128xi32, #tpu.memory_space<vmem>>
            %dma_start3A_302 = tpu.memref_squeeze %dma_start3A_301 : memref<1x1x128xi32, #tpu.memory_space<vmem>> -> memref<1x128xi32, #tpu.memory_space<vmem>>
            %dma_start3A_303 = arith.constant 0 : i32
            %dma_start3A_304 = tpu.memref_slice %arg3[%dma_start3A_303, %mul3A_290] : memref<1x1024xi32, #tpu.memory_space<hbm>> -> memref<1x128xi32, #tpu.memory_space<hbm>>
            tpu.enqueue_dma source(%dma_start3A_304 : memref<1x128xi32, #tpu.memory_space<hbm>>) target(%dma_start3A_302 : memref<1x128xi32, #tpu.memory_space<vmem>>) target_semaphore(%dma_start3A_298 : memref<!tpu.dma_semaphore, #tpu.memory_space<semaphore_mem>>)
            "tpu.trace_stop"() : () -> ()
          } else {
          }
          %and3A_184 = arith.constant true
          %and3A_185 = arith.andi %and3A, %and3A_184 : i1
          %add3A_186 = arith.constant 1 : i32
          %add3A_187 = arith.addi %while3A_136, %add3A_186 : i32
          %select_n3A_188 = arith.select %and3A_185, %add3A_187, %while3A_136 : i32
          %ne3A_189 = arith.cmpi ne, %add3A_148, %add3A_166 : i32
          %or3A_190 = arith.constant false
          %or3A_191 = arith.ori %or3A_190, %ne3A_189 : i1
          %or3A_192 = arith.constant false
          %or3A_193 = arith.ori %or3A_191, %or3A_192 : i1
          %sub3A_194 = arith.constant 2 : i32
          %sub3A_195 = arith.subi %mul3A_142, %sub3A_194 : i32
          %add3A_196 = arith.constant 1 : i32
          %add3A_197 = arith.addi %sub3A_195, %add3A_196 : i32
          %ge3A_198 = arith.cmpi sge, %while3A_135, %add3A_197 : i32
          %not3A_199 = arith.constant true
          %not3A_200 = arith.xori %ge3A_198, %not3A_199 : i1
          %and3A_201 = arith.andi %or3A_193, %not3A_200 : i1
          %ne3A_202 = arith.cmpi ne, %add3A_148, %add3A_158 : i32
          %or3A_203 = arith.constant false
          %or3A_204 = arith.ori %or3A_203, %ne3A_202 : i1
          %or3A_205 = arith.ori %or3A_204, %eq3A_144 : i1
          %convert_element_type3A_206 = arith.extui %or3A_205 : i1 to i32
          %cond3A_207 = arith.constant 0 : i32
          %cond3A_208 = arith.cmpi ne, %convert_element_type3A_206, %cond3A_207 : i32
          scf.if %cond3A_208 {
            "tpu.trace_start"() <{level = 10 : i32, message = "ep_wait_in"}> : () -> ()
            %mul3A_287 = arith.constant 128 : i32
            %mul3A_288 = arith.muli %mul3A_287, %add3A_148 : i32
            %rem3A_289 = arith.constant 2 : i32
            %rem3A_290 = arith.remui %while3A_137, %rem3A_289 : i32
            %dma_wait3A = arith.constant 0 : i32
            %dma_wait3A_291 = arith.constant 0 : i32
            %dma_wait3A_292 = tpu.memref_slice %run_scoped3A[%rem3A_290, %dma_wait3A, %dma_wait3A_291] : memref<2x1x128xi32, #tpu.memory_space<vmem>> -> memref<1x1x128xi32, #tpu.memory_space<vmem>>
            %dma_wait3A_293 = tpu.memref_squeeze %dma_wait3A_292 : memref<1x1x128xi32, #tpu.memory_space<vmem>> -> memref<1x128xi32, #tpu.memory_space<vmem>>
            %dma_wait3A_294 = arith.constant 0 : i32
            %dma_wait3A_295 = tpu.memref_slice %arg3[%dma_wait3A_294, %mul3A_288] : memref<1x1024xi32, #tpu.memory_space<hbm>> -> memref<1x128xi32, #tpu.memory_space<hbm>>
            %dma_wait3A_296 = tpu.memref_slice %run_scoped3A_10[%rem3A_290] : memref<2x!tpu.dma_semaphore, #tpu.memory_space<semaphore_mem>> -> memref<1x!tpu.dma_semaphore, #tpu.memory_space<semaphore_mem>>
            %dma_wait3A_297 = tpu.memref_squeeze %dma_wait3A_296 : memref<1x!tpu.dma_semaphore, #tpu.memory_space<semaphore_mem>> -> memref<!tpu.dma_semaphore, #tpu.memory_space<semaphore_mem>>
            %dma_wait3A_298 = arith.constant 0 : i32
            %dma_wait3A_299 = arith.constant 0 : i32
            %dma_wait3A_300 = tpu.memref_slice %run_scoped3A[%rem3A_290, %dma_wait3A_298, %dma_wait3A_299] : memref<2x1x128xi32, #tpu.memory_space<vmem>> -> memref<1x1x128xi32, #tpu.memory_space<vmem>>
            %dma_wait3A_301 = tpu.memref_squeeze %dma_wait3A_300 : memref<1x1x128xi32, #tpu.memory_space<vmem>> -> memref<1x128xi32, #tpu.memory_space<vmem>>
            %dma_wait3A_302 = arith.constant 0 : i32
            %dma_wait3A_303 = tpu.memref_slice %arg3[%dma_wait3A_302, %mul3A_288] : memref<1x1024xi32, #tpu.memory_space<hbm>> -> memref<1x128xi32, #tpu.memory_space<hbm>>
            tpu.wait_dma2 semaphore(%dma_wait3A_297 : memref<!tpu.dma_semaphore, #tpu.memory_space<semaphore_mem>>) src(%dma_wait3A_303 : memref<1x128xi32, #tpu.memory_space<hbm>>) dst(%dma_wait3A_301 : memref<1x128xi32, #tpu.memory_space<vmem>>)
            "tpu.trace_stop"() : () -> ()
          } else {
          }
          %ne3A_209 = arith.cmpi ne, %add3A_148, %add3A_158 : i32
          %or3A_210 = arith.constant false
          %or3A_211 = arith.ori %or3A_210, %ne3A_209 : i1
          %or3A_212 = arith.constant false
          %or3A_213 = arith.ori %or3A_211, %or3A_212 : i1
          %or3A_214 = arith.ori %or3A_213, %eq3A_144 : i1
          %convert_element_type3A_215 = arith.extui %or3A_214 : i1 to i32
          %cond3A_216 = arith.constant 0 : i32
          %cond3A_217 = arith.cmpi ne, %convert_element_type3A_215, %cond3A_216 : i32
          scf.if %cond3A_217 {
          } else {
          }
          %rem3A_218 = arith.constant 2 : i32
          %rem3A_219 = arith.remui %while3A_137, %rem3A_218 : i32
          %rem3A_220 = arith.constant 2 : i32
          %rem3A_221 = arith.remui %while3A_138, %rem3A_220 : i32
          %run_scoped3A_222 = arith.constant 0 : i32
          "tpu.trace_start"() <{level = 10 : i32, message = "ep_run_kernel"}> : () -> ()
          "tpu.region"() ({
            %run_scoped3A_287 = tpu.sem_alloc : memref<!tpu.dma_semaphore, #tpu.memory_space<semaphore_mem>>
            %dma_start3A_288 = arith.constant 0 : i32
            %dma_start3A_289 = arith.constant 0 : i32
            %dma_start3A_290 = tpu.memref_slice %run_scoped3A_11[%rem3A_221, %dma_start3A_288, %dma_start3A_289] : memref<2x128x128xf32, #tpu.memory_space<vmem>> -> memref<1x128x128xf32, #tpu.memory_space<vmem>>
            %dma_start3A_291 = tpu.memref_squeeze %dma_start3A_290 : memref<1x128x128xf32, #tpu.memory_space<vmem>> -> memref<128x128xf32, #tpu.memory_space<vmem>>
            %dma_start3A_292 = arith.constant 0 : i32
            %dma_start3A_293 = arith.constant 0 : i32
            %dma_start3A_294 = tpu.memref_slice %run_scoped3A[%rem3A_219, %dma_start3A_292, %dma_start3A_293] : memref<2x1x128xi32, #tpu.memory_space<vmem>> -> memref<1x1x128xi32, #tpu.memory_space<vmem>>
            %dma_start3A_295 = tpu.memref_squeeze %dma_start3A_294 : memref<1x1x128xi32, #tpu.memory_space<vmem>> -> memref<1x128xi32, #tpu.memory_space<vmem>>
            %dma_start3A_296 = arith.constant 0 : i32
            %dma_start3A_297 = tpu.memref_slice %dma_start3A_295[%run_scoped3A_222, %dma_start3A_296] : memref<1x128xi32, #tpu.memory_space<vmem>> -> memref<1x128xi32, #tpu.memory_space<vmem>>
            %dma_start3A_298 = tpu.memref_squeeze %dma_start3A_297 : memref<1x128xi32, #tpu.memory_space<vmem>> -> memref<128xi32, #tpu.memory_space<vmem>>
            %dma_start3A_299 = arith.constant 0 : i32
            %dma_start3A_300 = arith.constant 0 : i32
            %dma_start3A_301 = tpu.memref_slice %arg2[%dma_start3A_299, %dma_start3A_300] : memref<100000x128xf32, #tpu.memory_space<hbm>> -> memref<100000x128xf32, #tpu.memory_space<hbm>>
            tpu.enqueue_indirect_dma source(%dma_start3A_301 : memref<100000x128xf32, #tpu.memory_space<hbm>>) target(%dma_start3A_291 : memref<128x128xf32, #tpu.memory_space<vmem>>) offsets(%dma_start3A_298 : memref<128xi32, #tpu.memory_space<vmem>>) semaphore(%run_scoped3A_287 : memref<!tpu.dma_semaphore, #tpu.memory_space<semaphore_mem>>)
            %dma_wait3A = arith.constant 0 : i32
            %dma_wait3A_302 = arith.constant 0 : i32
            %dma_wait3A_303 = tpu.memref_slice %run_scoped3A_11[%rem3A_221, %dma_wait3A, %dma_wait3A_302] : memref<2x128x128xf32, #tpu.memory_space<vmem>> -> memref<1x128x128xf32, #tpu.memory_space<vmem>>
            %dma_wait3A_304 = tpu.memref_squeeze %dma_wait3A_303 : memref<1x128x128xf32, #tpu.memory_space<vmem>> -> memref<128x128xf32, #tpu.memory_space<vmem>>
            %dma_wait3A_305 = arith.constant 0 : i32
            %dma_wait3A_306 = arith.constant 0 : i32
            %dma_wait3A_307 = tpu.memref_slice %run_scoped3A[%rem3A_219, %dma_wait3A_305, %dma_wait3A_306] : memref<2x1x128xi32, #tpu.memory_space<vmem>> -> memref<1x1x128xi32, #tpu.memory_space<vmem>>
            %dma_wait3A_308 = tpu.memref_squeeze %dma_wait3A_307 : memref<1x1x128xi32, #tpu.memory_space<vmem>> -> memref<1x128xi32, #tpu.memory_space<vmem>>
            %dma_wait3A_309 = arith.constant 0 : i32
            %dma_wait3A_310 = tpu.memref_slice %dma_wait3A_308[%run_scoped3A_222, %dma_wait3A_309] : memref<1x128xi32, #tpu.memory_space<vmem>> -> memref<1x128xi32, #tpu.memory_space<vmem>>
            %dma_wait3A_311 = tpu.memref_squeeze %dma_wait3A_310 : memref<1x128xi32, #tpu.memory_space<vmem>> -> memref<128xi32, #tpu.memory_space<vmem>>
            %dma_wait3A_312 = arith.constant 0 : i32
            %dma_wait3A_313 = arith.constant 0 : i32
            %dma_wait3A_314 = tpu.memref_slice %arg2[%dma_wait3A_312, %dma_wait3A_313] : memref<100000x128xf32, #tpu.memory_space<hbm>> -> memref<100000x128xf32, #tpu.memory_space<hbm>>
            tpu.wait_indirect_dma semaphore(%run_scoped3A_287 : memref<!tpu.dma_semaphore, #tpu.memory_space<semaphore_mem>>) src(%dma_wait3A_314 : memref<100000x128xf32, #tpu.memory_space<hbm>>) dst(%dma_wait3A_304 : memref<128x128xf32, #tpu.memory_space<vmem>>)
            tpu.yield
          }) : () -> ()
          "tpu.trace_stop"() : () -> ()
          %ne3A_223 = arith.cmpi ne, %add3A_148, %add3A_166 : i32
          %or3A_224 = arith.constant false
          %or3A_225 = arith.ori %or3A_224, %ne3A_223 : i1
          %or3A_226 = arith.ori %or3A_225, %eq3A_147 : i1
          %convert_element_type3A_227 = arith.extui %or3A_226 : i1 to i32
          %cond3A_228 = arith.constant 0 : i32
          %cond3A_229 = arith.cmpi ne, %convert_element_type3A_227, %cond3A_228 : i32
          scf.if %cond3A_229 {
          } else {
          }
          %and3A_230 = arith.constant false
          %and3A_231 = arith.andi %or3A_226, %and3A_230 : i1
          %ne3A_232 = arith.cmpi ne, %add3A_148, %add3A_166 : i32
          %or3A_233 = arith.constant false
          %or3A_234 = arith.ori %or3A_233, %ne3A_232 : i1
          %or3A_235 = arith.constant false
          %or3A_236 = arith.ori %or3A_234, %or3A_235 : i1
          %or3A_237 = arith.ori %or3A_236, %eq3A_147 : i1
          %convert_element_type3A_238 = arith.extui %or3A_237 : i1 to i32
          %cond3A_239 = arith.constant 0 : i32
          %cond3A_240 = arith.cmpi ne, %convert_element_type3A_238, %cond3A_239 : i32
          scf.if %cond3A_240 {
            "tpu.trace_start"() <{level = 10 : i32, message = "ep_copy_out"}> : () -> ()
            %rem3A_287 = arith.constant 2 : i32
            %rem3A_288 = arith.remui %while3A_138, %rem3A_287 : i32
            %mul3A_289 = arith.constant 128 : i32
            %mul3A_290 = arith.muli %mul3A_289, %add3A_148 : i32
            %dma_start3A_291 = arith.constant 0 : i32
            %dma_start3A_292 = arith.constant 0 : i32
            %dma_start3A_293 = tpu.memref_slice %run_scoped3A_11[%rem3A_288, %dma_start3A_291, %dma_start3A_292] : memref<2x128x128xf32, #tpu.memory_space<vmem>> -> memref<1x128x128xf32, #tpu.memory_space<vmem>>
            %dma_start3A_294 = tpu.memref_squeeze %dma_start3A_293 : memref<1x128x128xf32, #tpu.memory_space<vmem>> -> memref<128x128xf32, #tpu.memory_space<vmem>>
            %dma_start3A_295 = arith.constant 0 : i32
            %dma_start3A_296 = tpu.memref_slice %arg4[%mul3A_290, %dma_start3A_295] : memref<1024x128xf32, #tpu.memory_space<hbm>> -> memref<128x128xf32, #tpu.memory_space<hbm>>
            %dma_start3A_297 = tpu.memref_slice %run_scoped3A_12[%rem3A_288] : memref<2x!tpu.dma_semaphore, #tpu.memory_space<semaphore_mem>> -> memref<1x!tpu.dma_semaphore, #tpu.memory_space<semaphore_mem>>
            %dma_start3A_298 = tpu.memref_squeeze %dma_start3A_297 : memref<1x!tpu.dma_semaphore, #tpu.memory_space<semaphore_mem>> -> memref<!tpu.dma_semaphore, #tpu.memory_space<semaphore_mem>>
            %dma_start3A_299 = arith.constant 0 : i32
            %dma_start3A_300 = tpu.memref_slice %arg4[%mul3A_290, %dma_start3A_299] : memref<1024x128xf32, #tpu.memory_space<hbm>> -> memref<128x128xf32, #tpu.memory_space<hbm>>
            %dma_start3A_301 = arith.constant 0 : i32
            %dma_start3A_302 = arith.constant 0 : i32
            %dma_start3A_303 = tpu.memref_slice %run_scoped3A_11[%rem3A_288, %dma_start3A_301, %dma_start3A_302] : memref<2x128x128xf32, #tpu.memory_space<vmem>> -> memref<1x128x128xf32, #tpu.memory_space<vmem>>
            %dma_start3A_304 = tpu.memref_squeeze %dma_start3A_303 : memref<1x128x128xf32, #tpu.memory_space<vmem>> -> memref<128x128xf32, #tpu.memory_space<vmem>>
            tpu.enqueue_dma source(%dma_start3A_304 : memref<128x128xf32, #tpu.memory_space<vmem>>) target(%dma_start3A_300 : memref<128x128xf32, #tpu.memory_space<hbm>>) target_semaphore(%dma_start3A_298 : memref<!tpu.dma_semaphore, #tpu.memory_space<semaphore_mem>>)
            "tpu.trace_stop"() : () -> ()
          } else {
          }
          %and3A_241 = arith.constant true
          %and3A_242 = arith.andi %or3A_237, %and3A_241 : i1
          %add3A_243 = arith.constant 1 : i32
          %add3A_244 = arith.addi %while3A_138, %add3A_243 : i32
          %select_n3A_245 = arith.select %and3A_242, %add3A_244, %while3A_138 : i32
          %ne3A_246 = arith.cmpi ne, %add3A_148, %add3A_158 : i32
          %or3A_247 = arith.constant false
          %or3A_248 = arith.ori %or3A_247, %ne3A_246 : i1
          %not3A_249 = arith.constant true
          %not3A_250 = arith.xori %eq3A_144, %not3A_249 : i1
          %and3A_251 = arith.andi %or3A_248, %not3A_250 : i1
          %convert_element_type3A_252 = arith.extui %and3A_251 : i1 to i32
          %cond3A_253 = arith.constant 0 : i32
          %cond3A_254 = arith.cmpi ne, %convert_element_type3A_252, %cond3A_253 : i32
          scf.if %cond3A_254 {
          } else {
          }
          %and3A_255 = arith.constant false
          %and3A_256 = arith.andi %and3A_251, %and3A_255 : i1
          %ne3A_257 = arith.cmpi ne, %add3A_148, %add3A_158 : i32
          %or3A_258 = arith.constant false
          %or3A_259 = arith.ori %or3A_258, %ne3A_257 : i1
          %or3A_260 = arith.constant false
          %or3A_261 = arith.ori %or3A_259, %or3A_260 : i1
          %not3A_262 = arith.constant true
          %not3A_263 = arith.xori %eq3A_144, %not3A_262 : i1
          %and3A_264 = arith.andi %or3A_261, %not3A_263 : i1
          %convert_element_type3A_265 = arith.extui %and3A_264 : i1 to i32
          %cond3A_266 = arith.constant 0 : i32
          %cond3A_267 = arith.cmpi ne, %convert_element_type3A_265, %cond3A_266 : i32
          scf.if %cond3A_267 {
            "tpu.trace_start"() <{level = 10 : i32, message = "ep_wait_out"}> : () -> ()
            %rem3A_287 = arith.constant 2 : i32
            %rem3A_288 = arith.remui %while3A_139, %rem3A_287 : i32
            %mul3A_289 = arith.constant 128 : i32
            %mul3A_290 = arith.muli %mul3A_289, %add3A_158 : i32
            %dma_wait3A = arith.constant 0 : i32
            %dma_wait3A_291 = arith.constant 0 : i32
            %dma_wait3A_292 = tpu.memref_slice %run_scoped3A_11[%rem3A_288, %dma_wait3A, %dma_wait3A_291] : memref<2x128x128xf32, #tpu.memory_space<vmem>> -> memref<1x128x128xf32, #tpu.memory_space<vmem>>
            %dma_wait3A_293 = tpu.memref_squeeze %dma_wait3A_292 : memref<1x128x128xf32, #tpu.memory_space<vmem>> -> memref<128x128xf32, #tpu.memory_space<vmem>>
            %dma_wait3A_294 = arith.constant 0 : i32
            %dma_wait3A_295 = tpu.memref_slice %arg4[%mul3A_290, %dma_wait3A_294] : memref<1024x128xf32, #tpu.memory_space<hbm>> -> memref<128x128xf32, #tpu.memory_space<hbm>>
            %dma_wait3A_296 = tpu.memref_slice %run_scoped3A_12[%rem3A_288] : memref<2x!tpu.dma_semaphore, #tpu.memory_space<semaphore_mem>> -> memref<1x!tpu.dma_semaphore, #tpu.memory_space<semaphore_mem>>
            %dma_wait3A_297 = tpu.memref_squeeze %dma_wait3A_296 : memref<1x!tpu.dma_semaphore, #tpu.memory_space<semaphore_mem>> -> memref<!tpu.dma_semaphore, #tpu.memory_space<semaphore_mem>>
            %dma_wait3A_298 = arith.constant 0 : i32
            %dma_wait3A_299 = tpu.memref_slice %arg4[%mul3A_290, %dma_wait3A_298] : memref<1024x128xf32, #tpu.memory_space<hbm>> -> memref<128x128xf32, #tpu.memory_space<hbm>>
            %dma_wait3A_300 = arith.constant 0 : i32
            %dma_wait3A_301 = arith.constant 0 : i32
            %dma_wait3A_302 = tpu.memref_slice %run_scoped3A_11[%rem3A_288, %dma_wait3A_300, %dma_wait3A_301] : memref<2x128x128xf32, #tpu.memory_space<vmem>> -> memref<1x128x128xf32, #tpu.memory_space<vmem>>
            %dma_wait3A_303 = tpu.memref_squeeze %dma_wait3A_302 : memref<1x128x128xf32, #tpu.memory_space<vmem>> -> memref<128x128xf32, #tpu.memory_space<vmem>>
            tpu.wait_dma2 semaphore(%dma_wait3A_297 : memref<!tpu.dma_semaphore, #tpu.memory_space<semaphore_mem>>) src(%dma_wait3A_303 : memref<128x128xf32, #tpu.memory_space<vmem>>) dst(%dma_wait3A_299 : memref<128x128xf32, #tpu.memory_space<hbm>>)
            "tpu.trace_stop"() : () -> ()
          } else {
          }
          %and3A_268 = arith.constant true
          %and3A_269 = arith.andi %and3A_264, %and3A_268 : i1
          %add3A_270 = arith.constant 1 : i32
          %add3A_271 = arith.addi %while3A_139, %add3A_270 : i32
          %select_n3A_272 = arith.select %and3A_269, %add3A_271, %while3A_139 : i32
          %ne3A_273 = arith.cmpi ne, %add3A_148, %add3A_166 : i32
          %or3A_274 = arith.constant false
          %or3A_275 = arith.ori %or3A_274, %ne3A_273 : i1
          %or3A_276 = arith.ori %or3A_275, %eq3A_147 : i1
          %add3A_277 = arith.constant 1 : i32
          %add3A_278 = arith.addi %while3A_137, %add3A_277 : i32
          %select_n3A_279 = arith.select %or3A_276, %add3A_278, %while3A_137 : i32
          %add3A_280 = arith.constant 1 : i32
          %add3A_281 = arith.addi %while3A_140, %add3A_280 : i32
          %select_n3A_282 = arith.constant true
          %select_n3A_283 = arith.select %select_n3A_282, %add3A_281, %while3A_140 : i32
          %eq3A_284 = arith.cmpi eq, %select_n3A_283, %select_n3A : i32
          %select_n3A_285 = arith.constant 0 : i32
          %select_n3A_286 = arith.select %eq3A_284, %select_n3A_285, %select_n3A_283 : i32
          scf.yield %select_n3A_188, %select_n3A_279, %select_n3A_245, %select_n3A_272, %select_n3A_286 : i32, i32, i32, i32, i32
        }
        %sub3A_84 = arith.constant 1 : i32
        %sub3A_85 = arith.subi %while3A_83#4, %sub3A_84 : i32
        %select_n3A_86 = arith.constant true
        %select_n3A_87 = arith.select %select_n3A_86, %sub3A_85, %while3A_83#4 : i32
        %eq3A_88 = arith.constant -1 : i32
        %eq3A_89 = arith.cmpi eq, %select_n3A_87, %eq3A_88 : i32
        %sub3A_90 = arith.constant 1 : i32
        %sub3A_91 = arith.subi %select_n3A, %sub3A_90 : i32
        %select_n3A_92 = arith.select %eq3A_89, %sub3A_91, %select_n3A_87 : i32
        %sub3A_93 = arith.constant 1 : i32
        %sub3A_94 = arith.subi %mul3A_9, %sub3A_93 : i32
        %mul3A_95 = arith.constant 1 : i32
        %mul3A_96 = arith.muli %mul3A_95, %select_n3A : i32
        %eq3A_97 = arith.constant 0 : i32
        %eq3A_98 = arith.cmpi eq, %sub3A_94, %eq3A_97 : i32
        %sub3A_99 = arith.constant 1 : i32
        %sub3A_100 = arith.subi %mul3A_96, %sub3A_99 : i32
        %eq3A_101 = arith.cmpi eq, %sub3A_94, %sub3A_100 : i32
        %add3A_102 = arith.addi %select_n3A_92, %select_n3A_7 : i32
        %sub3A_103 = arith.constant 1 : i32
        %sub3A_104 = arith.subi %select_n3A_92, %sub3A_103 : i32
        %select_n3A_105 = arith.constant true
        %select_n3A_106 = arith.select %select_n3A_105, %sub3A_104, %select_n3A_92 : i32
        %eq3A_107 = arith.constant -1 : i32
        %eq3A_108 = arith.cmpi eq, %select_n3A_106, %eq3A_107 : i32
        %sub3A_109 = arith.constant 1 : i32
        %sub3A_110 = arith.subi %select_n3A, %sub3A_109 : i32
        %select_n3A_111 = arith.select %eq3A_108, %sub3A_110, %select_n3A_106 : i32
        %add3A_112 = arith.addi %select_n3A_111, %select_n3A_7 : i32
        %add3A_113 = arith.constant 1 : i32
        %add3A_114 = arith.addi %select_n3A_92, %add3A_113 : i32
        %select_n3A_115 = arith.constant true
        %select_n3A_116 = arith.select %select_n3A_115, %add3A_114, %select_n3A_92 : i32
        %eq3A_117 = arith.cmpi eq, %select_n3A_116, %select_n3A : i32
        %select_n3A_118 = arith.constant 0 : i32
        %select_n3A_119 = arith.select %eq3A_117, %select_n3A_118, %select_n3A_116 : i32
        %add3A_120 = arith.addi %select_n3A_119, %select_n3A_7 : i32
        %add3A_121 = arith.constant 1 : i32
        %add3A_122 = arith.addi %select_n3A_119, %add3A_121 : i32
        %select_n3A_123 = arith.constant true
        %select_n3A_124 = arith.select %select_n3A_123, %add3A_122, %select_n3A_119 : i32
        %eq3A_125 = arith.cmpi eq, %select_n3A_124, %select_n3A : i32
        %select_n3A_126 = arith.constant 0 : i32
        %select_n3A_127 = arith.select %eq3A_125, %select_n3A_126, %select_n3A_124 : i32
        %add3A_128 = arith.addi %select_n3A_127, %select_n3A_7 : i32
        %convert_element_type3A_129 = arith.extui %eq3A_101 : i1 to i32
        %cond3A_130 = arith.constant 0 : i32
        %cond3A_131 = arith.cmpi ne, %convert_element_type3A_129, %cond3A_130 : i32
        scf.if %cond3A_131 {
        } else {
        }
        %convert_element_type3A_132 = arith.extui %eq3A_101 : i1 to i32
        %cond3A_133 = arith.constant 0 : i32
        %cond3A_134 = arith.cmpi ne, %convert_element_type3A_132, %cond3A_133 : i32
        scf.if %cond3A_134 {
          "tpu.trace_start"() <{level = 10 : i32, message = "ep_finalize"}> : () -> ()
          %rem3A_135 = arith.constant 2 : i32
          %rem3A_136 = arith.remui %while3A_83#3, %rem3A_135 : i32
          %mul3A_137 = arith.constant 128 : i32
          %mul3A_138 = arith.muli %mul3A_137, %add3A_102 : i32
          %dma_wait3A = arith.constant 0 : i32
          %dma_wait3A_139 = arith.constant 0 : i32
          %dma_wait3A_140 = tpu.memref_slice %run_scoped3A_11[%rem3A_136, %dma_wait3A, %dma_wait3A_139] : memref<2x128x128xf32, #tpu.memory_space<vmem>> -> memref<1x128x128xf32, #tpu.memory_space<vmem>>
          %dma_wait3A_141 = tpu.memref_squeeze %dma_wait3A_140 : memref<1x128x128xf32, #tpu.memory_space<vmem>> -> memref<128x128xf32, #tpu.memory_space<vmem>>
          %dma_wait3A_142 = arith.constant 0 : i32
          %dma_wait3A_143 = tpu.memref_slice %arg4[%mul3A_138, %dma_wait3A_142] : memref<1024x128xf32, #tpu.memory_space<hbm>> -> memref<128x128xf32, #tpu.memory_space<hbm>>
          %dma_wait3A_144 = tpu.memref_slice %run_scoped3A_12[%rem3A_136] : memref<2x!tpu.dma_semaphore, #tpu.memory_space<semaphore_mem>> -> memref<1x!tpu.dma_semaphore, #tpu.memory_space<semaphore_mem>>
          %dma_wait3A_145 = tpu.memref_squeeze %dma_wait3A_144 : memref<1x!tpu.dma_semaphore, #tpu.memory_space<semaphore_mem>> -> memref<!tpu.dma_semaphore, #tpu.memory_space<semaphore_mem>>
          %dma_wait3A_146 = arith.constant 0 : i32
          %dma_wait3A_147 = tpu.memref_slice %arg4[%mul3A_138, %dma_wait3A_146] : memref<1024x128xf32, #tpu.memory_space<hbm>> -> memref<128x128xf32, #tpu.memory_space<hbm>>
          %dma_wait3A_148 = arith.constant 0 : i32
          %dma_wait3A_149 = arith.constant 0 : i32
          %dma_wait3A_150 = tpu.memref_slice %run_scoped3A_11[%rem3A_136, %dma_wait3A_148, %dma_wait3A_149] : memref<2x128x128xf32, #tpu.memory_space<vmem>> -> memref<1x128x128xf32, #tpu.memory_space<vmem>>
          %dma_wait3A_151 = tpu.memref_squeeze %dma_wait3A_150 : memref<1x128x128xf32, #tpu.memory_space<vmem>> -> memref<128x128xf32, #tpu.memory_space<vmem>>
          tpu.wait_dma2 semaphore(%dma_wait3A_145 : memref<!tpu.dma_semaphore, #tpu.memory_space<semaphore_mem>>) src(%dma_wait3A_151 : memref<128x128xf32, #tpu.memory_space<vmem>>) dst(%dma_wait3A_147 : memref<128x128xf32, #tpu.memory_space<hbm>>)
          "tpu.trace_stop"() : () -> ()
        } else {
        }
      } else {
      }
      tpu.yield
    }) : () -> ()
    return
  }
}

module attributes {stable_mosaic.version = 14 : i64} {
  func.func @_lse_body(%arg0: i32, %arg1: memref<128x1024xbf16, #tpu.memory_space<vmem>>, %arg2: memref<4000x128xf32, #tpu.memory_space<vmem>>, %arg3: memref<128x1024xbf16, #tpu.memory_space<vmem>>, %arg4: memref<1x1xf32, #tpu.memory_space<vmem>>, %arg5: memref<2000x1024xf32, #tpu.memory_space<vmem>>, %arg6: memref<2000x1024xf32, #tpu.memory_space<vmem>>, %arg7: memref<1x1024xf32, #tpu.memory_space<vmem>>, %arg8: memref<1x1024xf32, #tpu.memory_space<vmem>>) attributes {dimension_semantics = [#tpu.dimension_semantics<arbitrary>], iteration_bounds = array<i64: 26>, scalar_prefetch = 0 : i64, scratch_operands = 4 : i64, tpu.core_type = #tpu.core_type<tc>, window_params = [{pipeline_mode = #tpu.pipeline_mode<synchronous>, transform_indices = @transform_0, window_bounds = array<i64: 128, 1024>}, {transform_indices = @transform_1, window_bounds = array<i64: 4000, 128>}, {pipeline_mode = #tpu.pipeline_mode<synchronous>, transform_indices = @transform_2, window_bounds = array<i64: 128, 1024>}, {pipeline_mode = #tpu.pipeline_mode<synchronous>, transform_indices = @transform_3, window_bounds = array<i64: 1, 1>}]} {
    %eq3A = arith.constant 0 : i32
    %eq3A_0 = arith.cmpi eq, %arg0, %eq3A : i32
    %convert_element_type3A = arith.extui %eq3A_0 : i1 to i32
    %cond3A = arith.constant 0 : i32
    %cond3A_1 = arith.cmpi ne, %convert_element_type3A, %cond3A : i32
    scf.if %cond3A_1 {
      %broadcast_in_dim3A_93 = arith.constant 0xFF800000 : f32
      %broadcast_in_dim3A_94 = vector.broadcast %broadcast_in_dim3A_93 : f32 to vector<1x1024xf32>
      %swap3A_95 = arith.constant 0 : index
      %swap3A_96 = arith.constant 0 : index
      %swap3A_97 = vector.load %arg7[%swap3A_95, %swap3A_96] : memref<1x1024xf32, #tpu.memory_space<vmem>>, vector<1x1024xf32>
      tpu.vector_store %arg7[%swap3A_95, %swap3A_96], %broadcast_in_dim3A_94 {strides = array<i32>} : memref<1x1024xf32, #tpu.memory_space<vmem>>, vector<1x1024xf32>,
      %broadcast_in_dim3A_98 = arith.constant 0.000000e+00 : f32
      %broadcast_in_dim3A_99 = vector.broadcast %broadcast_in_dim3A_98 : f32 to vector<1x1024xf32>
      %swap3A_100 = arith.constant 0 : index
      %swap3A_101 = arith.constant 0 : index
      %swap3A_102 = vector.load %arg8[%swap3A_100, %swap3A_101] : memref<1x1024xf32, #tpu.memory_space<vmem>>, vector<1x1024xf32>
      tpu.vector_store %arg8[%swap3A_100, %swap3A_101], %broadcast_in_dim3A_99 {strides = array<i32>} : memref<1x1024xf32, #tpu.memory_space<vmem>>, vector<1x1024xf32>,
      %broadcast_in_dim3A_103 = arith.constant -1.000000e+30 : f32
      %broadcast_in_dim3A_104 = vector.broadcast %broadcast_in_dim3A_103 : f32 to vector<2000x1024xf32>
      %swap3A_105 = arith.constant 0 : index
      %swap3A_106 = arith.constant 0 : index
      %swap3A_107 = vector.load %arg6[%swap3A_105, %swap3A_106] : memref<2000x1024xf32, #tpu.memory_space<vmem>>, vector<2000x1024xf32>
      tpu.vector_store %arg6[%swap3A_105, %swap3A_106], %broadcast_in_dim3A_104 {strides = array<i32>} : memref<2000x1024xf32, #tpu.memory_space<vmem>>, vector<2000x1024xf32>,
    } else {
    }
    %get3A = arith.constant 0 : index
    %get3A_2 = arith.constant 0 : index
    %get3A_3 = vector.load %arg2[%get3A, %get3A_2] : memref<4000x128xf32, #tpu.memory_space<vmem>>, vector<4000x128xf32>
    %convert_element_type3A_4 = arith.truncf %get3A_3 : vector<4000x128xf32> to vector<4000x128xbf16>
    %get3A_5 = arith.constant 0 : index
    %get3A_6 = arith.constant 0 : index
    %get3A_7 = vector.load %arg1[%get3A_5, %get3A_6] : memref<128x1024xbf16, #tpu.memory_space<vmem>>, vector<128x1024xbf16>
    %slice3A = vector.extract_strided_slice %convert_element_type3A_4 {offsets = [0, 0], sizes = [2000, 128], strides = [1, 1]} : vector<4000x128xbf16> to vector<2000x128xbf16>
    %dot_general3A = arith.constant dense<0.000000e+00> : vector<2000x1024xf32>
    %dot_general3A_8 = tpu.matmul %slice3A, %get3A_7, %dot_general3A {dimension_numbers = #tpu.dot_dimension_numbers<[1], [0], [0], [1], [0, 0, 1, 1], [], []>, transpose_lhs_hint = false} : vector<2000x128xbf16>, vector<128x1024xbf16>, vector<2000x1024xf32> -> vector<2000x1024xf32>
    %swap3A = arith.constant 0 : index
    %swap3A_9 = arith.constant 0 : index
    %swap3A_10 = vector.load %arg5[%swap3A, %swap3A_9] : memref<2000x1024xf32, #tpu.memory_space<vmem>>, vector<2000x1024xf32>
    tpu.vector_store %arg5[%swap3A, %swap3A_9], %dot_general3A_8 {strides = array<i32>} : memref<2000x1024xf32, #tpu.memory_space<vmem>>, vector<2000x1024xf32>,
    %get3A_11 = arith.constant 0 : index
    %get3A_12 = arith.constant 0 : index
    %get3A_13 = vector.load %arg7[%get3A_11, %get3A_12] : memref<1x1024xf32, #tpu.memory_space<vmem>>, vector<1x1024xf32>
    %get3A_14 = arith.constant 0 : index
    %get3A_15 = arith.constant 0 : index
    %get3A_16 = vector.load %arg8[%get3A_14, %get3A_15] : memref<1x1024xf32, #tpu.memory_space<vmem>>, vector<1x1024xf32>
    %get3A_17 = arith.constant 0 : index
    %get3A_18 = arith.constant 0 : index
    %get3A_19 = vector.load %arg6[%get3A_17, %get3A_18] : memref<2000x1024xf32, #tpu.memory_space<vmem>>, vector<2000x1024xf32>
    %reduce_max3A = arith.constant dense<0xFF800000> : vector<1024xf32>
    %reduce_max3A_20 = vector.multi_reduction <maximumf>, %get3A_19, %reduce_max3A [0] : vector<2000x1024xf32> to vector<1024xf32>
    %broadcast_in_dim3A = vector.shape_cast %reduce_max3A_20 : vector<1024xf32> to vector<1x1024xf32>
    %max3A = arith.maximumf %get3A_13, %broadcast_in_dim3A : vector<1x1024xf32>
    %sub3A = vector.broadcast %max3A : vector<1x1024xf32> to vector<2000x1024xf32>
    %sub3A_21 = arith.subf %get3A_19, %sub3A : vector<2000x1024xf32>
    %exp23A = math.exp2 %sub3A_21 : vector<2000x1024xf32>
    %slice3A_22 = vector.extract_strided_slice %exp23A {offsets = [0, 0], sizes = [500, 1024], strides = [1, 1]} : vector<2000x1024xf32> to vector<500x1024xf32>
    %slice3A_23 = vector.extract_strided_slice %exp23A {offsets = [500, 0], sizes = [500, 1024], strides = [1, 1]} : vector<2000x1024xf32> to vector<500x1024xf32>
    %add3A = arith.addf %slice3A_22, %slice3A_23 : vector<500x1024xf32>
    %slice3A_24 = vector.extract_strided_slice %exp23A {offsets = [1000, 0], sizes = [500, 1024], strides = [1, 1]} : vector<2000x1024xf32> to vector<500x1024xf32>
    %slice3A_25 = vector.extract_strided_slice %exp23A {offsets = [1500, 0], sizes = [500, 1024], strides = [1, 1]} : vector<2000x1024xf32> to vector<500x1024xf32>
    %add3A_26 = arith.addf %slice3A_24, %slice3A_25 : vector<500x1024xf32>
    %add3A_27 = arith.addf %add3A, %add3A_26 : vector<500x1024xf32>
    %sub3A_28 = arith.subf %get3A_13, %max3A : vector<1x1024xf32>
    %exp23A_29 = math.exp2 %sub3A_28 : vector<1x1024xf32>
    %mul3A = arith.mulf %get3A_16, %exp23A_29 : vector<1x1024xf32>
    %reduce_sum3A = arith.constant dense<0.000000e+00> : vector<1024xf32>
    %reduce_sum3A_30 = vector.multi_reduction <add>, %add3A_27, %reduce_sum3A [0] : vector<500x1024xf32> to vector<1024xf32>
    %broadcast_in_dim3A_31 = vector.shape_cast %reduce_sum3A_30 : vector<1024xf32> to vector<1x1024xf32>
    %mul3A_32 = arith.constant 1.000000e+00 : f32
    %mul3A_33 = vector.broadcast %mul3A_32 : f32 to vector<1x1024xf32>
    %mul3A_34 = arith.mulf %mul3A_33, %broadcast_in_dim3A_31 : vector<1x1024xf32>
    %add3A_35 = arith.addf %mul3A, %mul3A_34 : vector<1x1024xf32>
    %swap3A_36 = arith.constant 0 : index
    %swap3A_37 = arith.constant 0 : index
    %swap3A_38 = vector.load %arg7[%swap3A_36, %swap3A_37] : memref<1x1024xf32, #tpu.memory_space<vmem>>, vector<1x1024xf32>
    tpu.vector_store %arg7[%swap3A_36, %swap3A_37], %max3A {strides = array<i32>} : memref<1x1024xf32, #tpu.memory_space<vmem>>, vector<1x1024xf32>,
    %swap3A_39 = arith.constant 0 : index
    %swap3A_40 = arith.constant 0 : index
    %swap3A_41 = vector.load %arg8[%swap3A_39, %swap3A_40] : memref<1x1024xf32, #tpu.memory_space<vmem>>, vector<1x1024xf32>
    tpu.vector_store %arg8[%swap3A_39, %swap3A_40], %add3A_35 {strides = array<i32>} : memref<1x1024xf32, #tpu.memory_space<vmem>>, vector<1x1024xf32>,
    %slice3A_42 = vector.extract_strided_slice %convert_element_type3A_4 {offsets = [2000, 0], sizes = [2000, 128], strides = [1, 1]} : vector<4000x128xbf16> to vector<2000x128xbf16>
    %dot_general3A_43 = arith.constant dense<0.000000e+00> : vector<2000x1024xf32>
    %dot_general3A_44 = tpu.matmul %slice3A_42, %get3A_7, %dot_general3A_43 {dimension_numbers = #tpu.dot_dimension_numbers<[1], [0], [0], [1], [0, 0, 1, 1], [], []>, transpose_lhs_hint = false} : vector<2000x128xbf16>, vector<128x1024xbf16>, vector<2000x1024xf32> -> vector<2000x1024xf32>
    %swap3A_45 = arith.constant 0 : index
    %swap3A_46 = arith.constant 0 : index
    %swap3A_47 = vector.load %arg6[%swap3A_45, %swap3A_46] : memref<2000x1024xf32, #tpu.memory_space<vmem>>, vector<2000x1024xf32>
    tpu.vector_store %arg6[%swap3A_45, %swap3A_46], %dot_general3A_44 {strides = array<i32>} : memref<2000x1024xf32, #tpu.memory_space<vmem>>, vector<2000x1024xf32>,
    %lt3A = arith.constant 25 : i32
    %lt3A_48 = arith.cmpi slt, %arg0, %lt3A : i32
    %jit3A = arith.constant 1.000000e+00 : f32
    %jit3A_49 = arith.constant 0.000000e+00 : f32
    %select_n3A = arith.select %lt3A_48, %jit3A, %jit3A_49 : f32
    %get3A_50 = arith.constant 0 : index
    %get3A_51 = arith.constant 0 : index
    %get3A_52 = vector.load %arg7[%get3A_50, %get3A_51] : memref<1x1024xf32, #tpu.memory_space<vmem>>, vector<1x1024xf32>
    %get3A_53 = arith.constant 0 : index
    %get3A_54 = arith.constant 0 : index
    %get3A_55 = vector.load %arg8[%get3A_53, %get3A_54] : memref<1x1024xf32, #tpu.memory_space<vmem>>, vector<1x1024xf32>
    %get3A_56 = arith.constant 0 : index
    %get3A_57 = arith.constant 0 : index
    %get3A_58 = vector.load %arg5[%get3A_56, %get3A_57] : memref<2000x1024xf32, #tpu.memory_space<vmem>>, vector<2000x1024xf32>
    %reduce_max3A_59 = arith.constant dense<0xFF800000> : vector<1024xf32>
    %reduce_max3A_60 = vector.multi_reduction <maximumf>, %get3A_58, %reduce_max3A_59 [0] : vector<2000x1024xf32> to vector<1024xf32>
    %broadcast_in_dim3A_61 = vector.shape_cast %reduce_max3A_60 : vector<1024xf32> to vector<1x1024xf32>
    %max3A_62 = arith.maximumf %get3A_52, %broadcast_in_dim3A_61 : vector<1x1024xf32>
    %sub3A_63 = vector.broadcast %max3A_62 : vector<1x1024xf32> to vector<2000x1024xf32>
    %sub3A_64 = arith.subf %get3A_58, %sub3A_63 : vector<2000x1024xf32>
    %exp23A_65 = math.exp2 %sub3A_64 : vector<2000x1024xf32>
    %slice3A_66 = vector.extract_strided_slice %exp23A_65 {offsets = [0, 0], sizes = [500, 1024], strides = [1, 1]} : vector<2000x1024xf32> to vector<500x1024xf32>
    %slice3A_67 = vector.extract_strided_slice %exp23A_65 {offsets = [500, 0], sizes = [500, 1024], strides = [1, 1]} : vector<2000x1024xf32> to vector<500x1024xf32>
    %add3A_68 = arith.addf %slice3A_66, %slice3A_67 : vector<500x1024xf32>
    %slice3A_69 = vector.extract_strided_slice %exp23A_65 {offsets = [1000, 0], sizes = [500, 1024], strides = [1, 1]} : vector<2000x1024xf32> to vector<500x1024xf32>
    %slice3A_70 = vector.extract_strided_slice %exp23A_65 {offsets = [1500, 0], sizes = [500, 1024], strides = [1, 1]} : vector<2000x1024xf32> to vector<500x1024xf32>
    %add3A_71 = arith.addf %slice3A_69, %slice3A_70 : vector<500x1024xf32>
    %add3A_72 = arith.addf %add3A_68, %add3A_71 : vector<500x1024xf32>
    %sub3A_73 = arith.subf %get3A_52, %max3A_62 : vector<1x1024xf32>
    %exp23A_74 = math.exp2 %sub3A_73 : vector<1x1024xf32>
    %mul3A_75 = arith.mulf %get3A_55, %exp23A_74 : vector<1x1024xf32>
    %reduce_sum3A_76 = arith.constant dense<0.000000e+00> : vector<1024xf32>
    %reduce_sum3A_77 = vector.multi_reduction <add>, %add3A_72, %reduce_sum3A_76 [0] : vector<500x1024xf32> to vector<1024xf32>
    %broadcast_in_dim3A_78 = vector.shape_cast %reduce_sum3A_77 : vector<1024xf32> to vector<1x1024xf32>
    %mul3A_79 = vector.broadcast %select_n3A : f32 to vector<1x1024xf32>
    %mul3A_80 = arith.mulf %mul3A_79, %broadcast_in_dim3A_78 : vector<1x1024xf32>
    %add3A_81 = arith.addf %mul3A_75, %mul3A_80 : vector<1x1024xf32>
    %swap3A_82 = arith.constant 0 : index
    %swap3A_83 = arith.constant 0 : index
    %swap3A_84 = vector.load %arg7[%swap3A_82, %swap3A_83] : memref<1x1024xf32, #tpu.memory_space<vmem>>, vector<1x1024xf32>
    tpu.vector_store %arg7[%swap3A_82, %swap3A_83], %max3A_62 {strides = array<i32>} : memref<1x1024xf32, #tpu.memory_space<vmem>>, vector<1x1024xf32>,
    %swap3A_85 = arith.constant 0 : index
    %swap3A_86 = arith.constant 0 : index
    %swap3A_87 = vector.load %arg8[%swap3A_85, %swap3A_86] : memref<1x1024xf32, #tpu.memory_space<vmem>>, vector<1x1024xf32>
    tpu.vector_store %arg8[%swap3A_85, %swap3A_86], %add3A_81 {strides = array<i32>} : memref<1x1024xf32, #tpu.memory_space<vmem>>, vector<1x1024xf32>,
    %eq3A_88 = arith.constant 25 : i32
    %eq3A_89 = arith.cmpi eq, %arg0, %eq3A_88 : i32
    %convert_element_type3A_90 = arith.extui %eq3A_89 : i1 to i32
    %cond3A_91 = arith.constant 0 : i32
    %cond3A_92 = arith.cmpi ne, %convert_element_type3A_90, %cond3A_91 : i32
    scf.if %cond3A_92 {
      %get3A_93 = arith.constant 0 : index
      %get3A_94 = arith.constant 0 : index
      %get3A_95 = vector.load %arg1[%get3A_93, %get3A_94] : memref<128x1024xbf16, #tpu.memory_space<vmem>>, vector<128x1024xbf16>
      %convert_element_type3A_96 = arith.extf %get3A_95 : vector<128x1024xbf16> to vector<128x1024xf32>
      %get3A_97 = arith.constant 0 : index
      %get3A_98 = arith.constant 0 : index
      %get3A_99 = vector.load %arg3[%get3A_97, %get3A_98] : memref<128x1024xbf16, #tpu.memory_space<vmem>>, vector<128x1024xbf16>
      %convert_element_type3A_100 = arith.extf %get3A_99 : vector<128x1024xbf16> to vector<128x1024xf32>
      %mul3A_101 = arith.mulf %convert_element_type3A_96, %convert_element_type3A_100 : vector<128x1024xf32>
      %reduce_sum3A_102 = arith.constant dense<0.000000e+00> : vector<1024xf32>
      %reduce_sum3A_103 = vector.multi_reduction <add>, %mul3A_101, %reduce_sum3A_102 [0] : vector<128x1024xf32> to vector<1024xf32>
      %broadcast_in_dim3A_104 = vector.shape_cast %reduce_sum3A_103 : vector<1024xf32> to vector<1x1024xf32>
      %get3A_105 = arith.constant 0 : index
      %get3A_106 = arith.constant 0 : index
      %get3A_107 = vector.load %arg8[%get3A_105, %get3A_106] : memref<1x1024xf32, #tpu.memory_space<vmem>>, vector<1x1024xf32>
      %log3A = math.log %get3A_107 : vector<1x1024xf32>
      %log3A_108 = arith.constant 2.000000e+00 : f32
      %log3A_109 = math.log %log3A_108 : f32
      %div3A = vector.broadcast %log3A_109 : f32 to vector<1x1024xf32>
      %div3A_110 = arith.divf %log3A, %div3A : vector<1x1024xf32>
      %get3A_111 = arith.constant 0 : index
      %get3A_112 = arith.constant 0 : index
      %get3A_113 = vector.load %arg7[%get3A_111, %get3A_112] : memref<1x1024xf32, #tpu.memory_space<vmem>>, vector<1x1024xf32>
      %add3A_114 = arith.addf %div3A_110, %get3A_113 : vector<1x1024xf32>
      %sub3A_115 = arith.subf %add3A_114, %broadcast_in_dim3A_104 : vector<1x1024xf32>
      %reduce_sum3A_116 = vector.shape_cast %sub3A_115 : vector<1x1024xf32> to vector<1x1x1024xf32>
      %reduce_sum3A_117 = arith.constant dense<0.000000e+00> : vector<1xf32>
      %reduce_sum3A_118 = vector.multi_reduction <add>, %reduce_sum3A_116, %reduce_sum3A_117 [1, 2] : vector<1x1x1024xf32> to vector<1xf32>
      %reduce_sum3A_119 = vector.shape_cast %reduce_sum3A_118 : vector<1xf32> to vector<1x1x1xf32>
      %reduce_sum3A_120 = vector.extract %reduce_sum3A_119[0, 0, 0] : f32 from vector<1x1x1xf32>
      %broadcast_in_dim3A_121 = vector.broadcast %reduce_sum3A_120 : f32 to vector<1x1xf32>
      %mul3A_122 = arith.constant 6.76901545E-4 : f32
      %mul3A_123 = vector.broadcast %mul3A_122 : f32 to vector<1x1xf32>
      %mul3A_124 = arith.mulf %broadcast_in_dim3A_121, %mul3A_123 : vector<1x1xf32>
      %swap3A_125 = arith.constant 0 : index
      %swap3A_126 = arith.constant 0 : index
      %swap3A_127 = vector.load %arg4[%swap3A_125, %swap3A_126] : memref<1x1xf32, #tpu.memory_space<vmem>>, vector<1x1xf32>
      tpu.vector_store %arg4[%swap3A_125, %swap3A_126], %mul3A_124 {strides = array<i32>} : memref<1x1xf32, #tpu.memory_space<vmem>>, vector<1x1xf32>,
    } else {
    }
    return
  }
  func.func @transform_0(%arg0: i32) -> (i32, i32) {
    %c0_i32 = arith.constant 0 : i32
    %c0_i32_0 = arith.constant 0 : i32
    %c0_i32_1 = arith.constant 0 : i32
    return %c0_i32, %c0_i32_0 : i32, i32
  }
  func.func @transform_1(%arg0: i32) -> (i32, i32) {
    %min3A = arith.constant 24 : i32
    %min3A_0 = arith.minsi %arg0, %min3A : i32
    %c0_i32 = arith.constant 0 : i32
    %c0_i32_1 = arith.constant 0 : i32
    return %min3A_0, %c0_i32 : i32, i32
  }
  func.func @transform_2(%arg0: i32) -> (i32, i32) {
    %c0_i32 = arith.constant 0 : i32
    %c0_i32_0 = arith.constant 0 : i32
    %c0_i32_1 = arith.constant 0 : i32
    return %c0_i32, %c0_i32_0 : i32, i32
  }
  func.func @transform_3(%arg0: i32) -> (i32, i32) {
    %c0_i32 = arith.constant 0 : i32
    %c0_i32_0 = arith.constant 0 : i32
    %c0_i32_1 = arith.constant 0 : i32
    return %c0_i32, %c0_i32_0 : i32, i32
  }
}

</mosaic_0001>

<sc_bundles>
// kernel: kernel.4.cloned.1.call-start
scs
__scs_entry_jumppad:
0x0: {  	(pc) =	sbr.rel $0x88, $3  }
0x1: {  	(tag) =	ssettag $0x0;
	lr =	simm.s32 $0x1  }
0x2: {  	[smem:$0x3F9E] =	sst lr;
	_ =	strace $0xD0000000  }
0x3: {  	_ = 	snop  }
0x4: {  	_ = 	snop  }
0x5: {  	_ = 	snop  }
0x6: {  	_ = 	snop  }
0x7: {  	_ = 	snop  }
__scs_overlays_trampoline_lowered:
0x8: {  	[smem:$0x3FAD] =	sst s0  }
0x9: {  	[smem:$0x3FAE] =	sst s1  }
0xa: {  	[smem:$0x3FAF] =	sst s2  }
0xb: {  	[smem:$0x3FB0] =	sst s3  }
0xc: {  	[smem:$0x3FB1] =	sst s4  }
0xd: {  	[smem:$0x3FB2] =	sst s5  }
0xe: {  	[smem:$0x3FB3] =	sst s6  }
0xf: {  	[smem:$0x3FB4] =	sst s7  }
0x10: {  	[smem:$0x3FB5] =	sst s8  }
0x11: {  	[smem:$0x3FB6] =	sst s9;
	s0 =	simm.s32 @!p0 $0x0  }
0x12: {  	s1 =	sld [smem:$0x3F9C];
	s0 =	simm.s32 @p0 $0x1  }
0x13: {  	[smem:$0x3FB7] =	sst s0;
	s0 =	simm.s32 @!p1 $0x0  }
0x14: {  	s2 =	sld [smem:$0x3F9B];
	s0 =	simm.s32 @p1 $0x1  }
0x15: {  	[smem:$0x3FB8] =	sst s0;
	s0 =	simm.s32 @!p2 $0x0  }
0x16: {  	s3 =	sld [smem:$0x3FDB];
	s0 =	simm.s32 @p2 $0x1  }
0x17: {  	s4 =	simm.s32 $0x1BF5;
	[smem:$0x3FBA] =	sst s0  }
0x18: {  	s0 =	sld [smem:$0x3F9D];
	_ =	swait.ge [sflag:s4], $0x0  }
0x19: {  	s7 =	sld [smem:$0x3F9E]  }
0x1a: {  	s8 =	sadd.s32 $0xFFFFE003, lr  }
0x1b: {  	s9 =	sadd.s32 $0xFFFFFEF7, lr;
	s5 =	simm.s32 $0xFFFFFFFF;
	p2 =	slt.u32 s8, $0xFFFFF086  }
0x1c: {  	p1 =	slt.u32 s9, $0xF7A;
	s5 =	simm.s32 @!p2 $0x0  }
0x1d: {  	s5 =	simm.s32 @p1 $0x1;
	p0 =	seq.s32 s7, s2  }
0x1e: {  	s7 =	smul.u32 @!p0 $0xF7A, s2;
	p2 =	seq.s32 @!p0 s5, $0x0  }
0x1f: {  	s9 =	smul.u32 $0xF7A, s1;
	s8 =	simm.s32 @!p0 $0x1BF5;
	p2 =	por !p2, p0  }
0x20: {  	[sflag:s8] =	ssyncset.s32 @!p0 $0xFFFFF086;
	s6 =	sadd.s32 @!p0 s3, s7;
	s7 =	simm.s32 @!p0 $0x108  }
0x21: {  	s3 =	sadd.s32 s3, s9;
	s6 =	sadd.s32 @!p0 $0x88, s6;
	s7 =	simm.s32 @p2 $0x1082  }
0x22: {  	[simem:s7], [sflag:s8] =	dma.local @!p0 [hbm:s6], $0xF7A  }
0x23: {  	s9 =	sor.u32 $0xD0000000, s2;
	s6 =	simm.s32 $0x108;
	_ =	swait.ge @!p0 [sflag:s8], $0x0  }
0x24: {  	s3 =	sadd.s32 $0x88, s3;
	s6 =	simm.s32 @!p1 $0x1082;
	[sflag:s4] =	ssyncset.s32 $0xFFFFF086  }
0x25: {  	[simem:s6], [sflag:s4] =	dma.local [hbm:s3], $0xF7A  }
0x26: {  	[smem:$0x3F9E] =	sst s1;
	(tag) =	ssettag s2;
	_ =	strace s9  }
0x27: {  	s1 =	sld [smem:$0x3FAE]  }
0x28: {  	s2 =	sld [smem:$0x3FAF]  }
0x29: {  	s4 =	sld [smem:$0x3FB1]  }
0x2a: {  	p0 =	seq.s32 s5, $0x0;
	s5 =	sld [smem:$0x3FB2]  }
0x2b: {  	s6 =	sld [smem:$0x3FB3]  }
0x2c: {  	s7 =	sld [smem:$0x3FB4]  }
0x2d: {  	s3 =	simm.s32 $0x108;
	s8 =	sld [smem:$0x3FB5]  }
0x2e: {  	s3 =	simm.s32 @!p0 $0x1082;
	s9 =	sld [smem:$0x3FB6]  }
0x2f: {  	lr =	sadd.s32 s0, s3;
	s0 =	sld [smem:$0x3FAD]  }
0x30: {  	s3 =	sld [smem:$0x3FB0]  }
0x31: {  	[smem:$0x3FB9] =	sst s10  }
0x32: {  	s10 =	sld [smem:$0x3FB7];
	_ =	sdelay $0x3  }
0x33: {  	p0 =	seq.s32 s10, $0x1;
	s10 =	sld [smem:$0x3FB9];
	_ =	sdelay $0x3  }
0x34: {  	[smem:$0x3FB9] =	sst s10  }
0x35: {  	s10 =	sld [smem:$0x3FB8];
	_ =	sdelay $0x3  }
0x36: {  	p1 =	seq.s32 s10, $0x1;
	s10 =	sld [smem:$0x3FB9];
	_ =	sdelay $0x3  }
0x37: {  	[smem:$0x3FB9] =	sst s10  }
0x38: {  	s10 =	sld [smem:$0x3FBA]  }
0x39: {  	_ = 	snop;
	(pc) =	sbr.ind lr, $3  }
0x3a: {  	_ = 	snop  }
0x3b: {  	_ = 	snop  }
0x3c: {  	p2 =	seq.s32 s10, $0x1;
	s10 =	sld [smem:$0x3FB9]  }
0x3d: {  	_ =	shalt  }
0x3e: {  	_ =	shalt  }
0x3f: {  	_ =	shalt  }
0x40: {  	_ =	shalt  }
0x41: {  	_ =	shalt  }
0x42: {  	_ =	shalt  }
0x43: {  	_ =	shalt  }
0x44: {  	_ =	shalt  }
0x45: {  	_ =	shalt  }
0x46: {  	_ =	shalt  }
0x47: {  	_ =	shalt  }
0x48: {  	_ =	shalt  }
0x49: {  	_ =	shalt  }
0x4a: {  	_ =	shalt  }
0x4b: {  	_ =	shalt  }
0x4c: {  	_ =	shalt  }
0x4d: {  	_ =	shalt  }
0x4e: {  	_ =	shalt  }
0x4f: {  	_ =	shalt  }
0x50: {  	_ =	shalt  }
0x51: {  	_ =	shalt  }
0x52: {  	_ =	shalt  }
0x53: {  	_ =	shalt  }
0x54: {  	_ =	shalt  }
0x55: {  	_ =	shalt  }
0x56: {  	_ =	shalt  }
0x57: {  	_ =	shalt  }
0x58: {  	_ =	shalt  }
0x59: {  	_ =	shalt  }
0x5a: {  	_ =	shalt  }
0x5b: {  	_ =	shalt  }
0x5c: {  	_ =	shalt  }
0x5d: {  	_ =	shalt  }
0x5e: {  	_ =	shalt  }
0x5f: {  	_ =	shalt  }
0x60: {  	_ =	shalt  }
0x61: {  	_ =	shalt  }
0x62: {  	_ =	shalt  }
0x63: {  	_ =	shalt  }
0x64: {  	_ =	shalt  }
0x65: {  	_ =	shalt  }
0x66: {  	_ =	shalt  }
0x67: {  	_ =	shalt  }
0x68: {  	_ =	shalt  }
0x69: {  	_ =	shalt  }
0x6a: {  	_ =	shalt  }
0x6b: {  	_ =	shalt  }
0x6c: {  	_ =	shalt  }
0x6d: {  	_ =	shalt  }
0x6e: {  	_ =	shalt  }
0x6f: {  	_ =	shalt  }
0x70: {  	_ =	shalt  }
0x71: {  	_ =	shalt  }
0x72: {  	_ =	shalt  }
0x73: {  	_ =	shalt  }
0x74: {  	_ =	shalt  }
0x75: {  	_ =	shalt  }
0x76: {  	_ =	shalt  }
0x77: {  	_ =	shalt  }
0x78: {  	_ =	shalt  }
0x79: {  	_ =	shalt  }
0x7a: {  	_ =	shalt  }
0x7b: {  	_ =	shalt  }
0x7c: {  	_ =	shalt  }
0x7d: {  	_ =	shalt  }
0x7e: {  	_ =	shalt  }
0x7f: {  	_ =	shalt  }
0x80: {  	_ =	shalt  }
0x81: {  	_ =	shalt  }
0x82: {  	_ =	shalt  }
0x83: {  	_ =	shalt  }
0x84: {  	_ =	shalt  }
0x85: {  	_ =	shalt  }
0x86: {  	_ =	shalt  }
0x87: {  	_ =	shalt  }
.Lfunc_end0:
.L_simem_size_0:
called_computation_lowered:
.L_overlay_start_0:
0x88: {  	s2 =	sld [smem:$0x3FD9]  }
0x89: {  	s3 =	sld [smem:$0x3FFE];
	_ =	sdelay $0x1  }
0x8a: {  	s1 =	srdreg.scid  }
0x8b: {  	s0 =	sand.u32 $0x1, s1  }
0x8c: {  	s17 =	sshll.u32 s0, $0xA;
	s2 =	sadd.s32 s3, s2  }
0x8d: {  	s2 =	sadd.s32 s2, s17  }
0x8e: {  	[smem:$0x3FC5] =	sst s2  }
0x8f: {  	_ = 	snop  }
0x90: {  	s2 =	sld [smem:$0x3FC8]  }
0x91: {  	s18 =	sld [smem:$0x3FC7];
	(tm) =	ssettm $0x1  }
0x92: {  	s4 =	sld [smem:$0x3FFB];
	_ =	sdelay $0x3  }
0x93: {  	_ =	strace s4  }
0x94: {  	s4 =	sld [smem:$0x3FFC];
	_ =	sdelay $0x3  }
0x95: {  	_ =	strace s4  }
0x96: {  	s4 =	sld [smem:$0x3FFD];
	_ =	sdelay $0x3  }
0x97: {  	_ =	strace s4  }
0x98: {  	_ =	strace $0x8FFFFFFF  }
0x99: {  	s19 =	sld [smem:$0x3FDB];
	_ =	sdelay $0x1  }
0x9a: {  	s5 =	simm.s32 $_scs_section_size  }
0x9b: {  	s6 =	simm.s32 $_size__tile_overlayer_lowered;
	s7 =	simm.s32 $_tile_overlayer_lowered  }
0x9c: {  	s22 =	simm.s32 $0x1BFF;
	s21 =	sshll.u32 s7, $0x1;
	s4 =	sadd.s32 s5, s19  }
0x9d: {  	s8 =	simm.s32 $0x0;
	s20 =	sshll.u32 s6, $0x1;
	s6 =	sadd.s32 s21, s4  }
0x9e: {  	[timem:s8], [sflag:s22] =	dma.local [hbm:s6], s20  }
0x9f: {  	_ =	swait.ge [sflag:s22], s20  }
0xa0: {  	s5 =	ssub.s32 $0x0, s20;
	[sflag:s22] =	ssyncset.done $0x0  }
0xa1: {  	[sflag:s22] =	ssyncadd.s32 s5;
	_ =	sdelay $0x1  }
0xa2: {  	s23 =	simm.s32 $0x1B8B  }
0xa3: {  	_ =	swait.ge [sflag:s23], $0x1  }
0xa4: {  	[sflag:s23] =	ssyncset.done $0x0  }
0xa5: {  	s25 =	simm.s32 $0x1B8E;
	s24 =	sld [smem:$0x3FFE];
	[sflag:s23] =	ssyncadd.s32 $0xFFFFFFFF  }
0xa6: {  	s26 =	simm.s32 $execute0_lowered;
	[smem:$0x3FD2] =	sst s25  }
0xa7: {  	s6 =	sshll.u32 s26, $0x1;
	_ =	strace $0x80000046;
	[dreg:$0x1] =	wrdreg $0xFFFFFFFF  }
0xa8: {  	s28 =	simm.s32 $_size_execute0_lowered;
	s4 =	sadd.s32 s4, s6;
	[dreg:$0x0] =	wrdreg $0x0  }
0xa9: {  	s6 =	sshll.u32 s28, $0x1;
	[dreg:$0x2] =	wrdreg s4  }
0xaa: {  	[dreg:$0x3] =	wrdreg s6  }
0xab: {  	[dreg:$0x4] =	wrdreg $0xC0  }
0xac: {  	_ =	task [dreg:s8], $0x5FFFF  }
0xad: {  	[dreg:$0x1] =	wrdreg $0xFFFFFFFF  }
0xae: {  	[dreg:$0x0] =	wrdreg $0x60  }
0xaf: {  	[dreg:$0x2] =	wrdreg s18  }
0xb0: {  	[dreg:$0x3] =	wrdreg s2  }
0xb1: {  	[dreg:$0x4] =	wrdreg s24  }
0xb2: {  	[dreg:$0x5] =	wrdreg $0x9  }
0xb3: {  	_ =	task.clear_ibuf [dreg:s8], $0x6FFFF;
	_ =	strace $0x90000046  }
0xb4: {  	s29 =	simm.s32 $0x9;
	_ =	strace $0x8000004F  }
0xb5: {  	_ =	swait.ge [sflag:s29], $0x1  }
0xb6: {  	[sflag:s29] =	ssyncadd.s32 $0xFFFFFFFF  }
0xb7: {  	_ =	strace $0x9000004F  }
0xb8: {  	_ =	sfence  }
0xb9: {  	s30 =	sld [smem:$0x0];
	_ =	sdelay $0x2  }
0xba: {  	s31 =	sshll.u32 s1, $0xD;
	s1 =	sshrl.u32 s1, $0x2  }
0xbb: {  	s3 =	sand.u32 $0x4000, s31;
	s1 =	sadd.s32 s1, s30  }
0xbc: {  	s0 =	sor.u32 s3, s0;
	s1 =	sshll.u32 s1, $0x11  }
0xbd: {  	s0 =	sor.u32 s1, s0  }
0xbe: {  	s0 =	sadd.s32 $0x8F2B, s0  }
0xbf: {  	[sflag:s0] =	ssyncadd.remote.s32 $0x1  }
0xc0: {  	_ =	sfence.sel $0xFFFF  }
0xc1: {  	[dreg:$0x0] =	wrdreg $0xFFFFFFFF;
	(pc) =	sbr.abs _section_cstart, $3  }
0xc2: {  	[dreg:$0x1] =	wrdreg $0xFFFFFFFF  }
0xc3: {  	_ =	task.clear_ibuf [dreg:s8], $0x2FFFF;
	_ =	strace $0x9FFFFFFF  }
0xc4: {  	(tm) =	ssettm $0x7FFFFFFF  }
0xc5: {  	_ =	shalt  }
tec
execute0_lowered:
.L_overlay_start_1:
0x0: {  	(tag) =	ssettag $0x1  }
0x1: {  	s1 =	stileid.u32  }
0x2: {  	p0 =	sgt.u32 s1, $0x7  }
.Ltmp0:
0x3: {  	s2 =	rddreg [dreg:$0x0];
	(pc) =	sbr.rel @p0 .LBB2_4-.Ltmp0, $4  }
0x4: {  	s4 =	rddreg [dreg:$0x1]  }
0x5: {  	s9 =	rddreg [dreg:$0x2];
	s3 =	simm.s32 $0x0  }
0x6: {  	[smem:$0x7FF] =	sst s3  }
0x7: {  	s0 =	rddreg [dreg:$0x3];
	_ =	strace $0x80000047  }
0x8: {  	s10 =	smin.u32 s1, $0x8  }
0x9: {  	s5 =	sshll.u32 s10, $0x4  }
0xa: {  	_ =	strace $0x80000048;
	s4 =	sadd.s32 s4, s5  }
0xb: {  	[tilespmem:s3], [sflag:$0x1] =	stream.linear.gather [hbm4b:s4+s3], $0x80, $0x200038;
	[tilespmem:$0x8100] =	vst v63  }
0xc: {  	_ =	strace $0x90000048  }
0xd: {  	s5 =	simm.s32 $0x1;
	_ =	strace $0x8000004A  }
0xe: {  	_ =	swait.ge [sflag:s5], $0x80  }
0xf: {  	[sflag:s5] =	ssyncset.done $0x0  }
0x10: {  	s6 =	simm.s32 $0x80;
	s7 =	simm.s32 $0x100;
	[sflag:s5] =	ssyncadd.s32 $0xFFFFFF80  }
0x11: {  	s8 =	simm.s32 $0x5;
	s11 =	srdreg.scid;
	_ =	strace $0x9000004A  }
0x12: {  	s10 =	sshll.u32 s10, $0xB;
	s30 =	sand.u32 $0x1, s11;
	_ =	strace $0x8000004B  }
0x13: {  	[tilespmem:s7], [sflag:$0x5] =	stream.indirect.gather [hbm4b:s2+s6], $0x80, s3, s6, $0x2000b8;
	[tilespmem:$0x8100] =	vst v63  }
0x14: {  	s9 =	sadd.s32 s10, s9;
	s10 =	ssub.s32 $0x2, s30;
	_ =	swait.ge [sflag:s8], $0x4000  }
0x15: {  	s31 =	sshrl.u32 s10, $0x1;
	[sflag:s8] =	ssyncset.done $0x0  }
0x16: {  	s11 =	ssub.s32 s10, s31;
	[sflag:s8] =	ssyncadd.s32 $0xFFFFC000  }
0x17: {  	s11 =	smax.u32 s11, $0x1;
	_ =	strace $0x9000004B  }
0x18: {  	s9 =	sadd.s32 $0x600, s9;
	p0 =	sne.s32 s11, $0x1;
	_ =	strace $0x8000004C  }
0x19: {  	[hbm4b:s9+s3] =	stream.linear.scatter [tilespmem:s7], [sflag:$0x3], $0x4000, $0x200038;
	[tilespmem:$0x8100] =	vst v63  }
.Ltmp1:
0x1a: {  	_ =	strace $0x9000004C;
	(pc) =	sbr.rel @!p0 .LBB2_3-.Ltmp1, $4  }
0x1b: {  	s10 =	simm.s32 $0x3;
	_ =	strace $0x8000004E  }
0x1c: {  	_ =	swait.ge [sflag:s10], $0x4000  }
0x1d: {  	[sflag:s10] =	ssyncset.done $0x0  }
0x1e: {  	s11 =	sadd.s32 $0xFFFFFFFF, s11;
	[sflag:s10] =	ssyncadd.s32 $0xFFFFC000  }
.LBB2_2:
0x1f: {  	p0 =	sne.s32 s11, $0x1;
	s11 =	sadd.s32 $0xFFFFFFFF, s11;
	_ =	strace $0x9000004E  }
0x20: {  	_ =	strace $0x80000048  }
0x21: {  	[tilespmem:s3], [sflag:$0x1] =	stream.linear.gather [hbm4b:s4+s3], $0x80, $0x200038;
	[tilespmem:$0x8100] =	vst v63  }
0x22: {  	_ =	strace $0x90000048  }
0x23: {  	_ =	strace $0x8000004A  }
0x24: {  	_ =	swait.ge [sflag:s5], $0x80  }
0x25: {  	[sflag:s5] =	ssyncset.done $0x0  }
0x26: {  	[sflag:s5] =	ssyncadd.s32 $0xFFFFFF80  }
0x27: {  	_ =	strace $0x9000004A  }
0x28: {  	_ =	strace $0x8000004B  }
0x29: {  	[tilespmem:s7], [sflag:$0x5] =	stream.indirect.gather [hbm4b:s2+s6], $0x80, s3, s6, $0x2000b8;
	[tilespmem:$0x8100] =	vst v63  }
0x2a: {  	_ =	swait.ge [sflag:s8], $0x4000  }
0x2b: {  	[sflag:s8] =	ssyncset.done $0x0  }
0x2c: {  	[sflag:s8] =	ssyncadd.s32 $0xFFFFC000  }
0x2d: {  	_ =	strace $0x9000004B  }
0x2e: {  	_ =	strace $0x8000004C  }
0x2f: {  	[hbm4b:s9+s3] =	stream.linear.scatter [tilespmem:s7], [sflag:$0x3], $0x4000, $0x200038;
	[tilespmem:$0x8100] =	vst v63  }
.Ltmp2:
0x30: {  	_ =	strace $0x9000004C;
	(pc) =	sbr.rel @p0 .LBB2_2-.Ltmp2, $4  }
0x31: {  	_ =	strace $0x8000004E  }
0x32: {  	_ =	swait.ge [sflag:s10], $0x4000  }
0x33: {  	[sflag:s10] =	ssyncset.done $0x0  }
0x34: {  	[sflag:s10] =	ssyncadd.s32 $0xFFFFC000  }
.LBB2_3:
0x35: {  	_ =	strace $0x9000004E  }
.LBB2_4:
0x36: {  	_ =	sfence.sel $0x180000  }
0x37: {  	[bflag:$0x0] =	sbarrier.arrive $0xFFFF  }
0x38: {  	p0 =	sne.s32 s1, $0x0;
	_ =	strace $0x90000047  }
0x39: {  	s0 =	sadd.s32 @!p0 $0x100000, s0;
	[bflag:$0x2] =	sbarrier.arrive $0xFFFF  }
0x3a: {  	[sflag:s0] =	ssyncadd.tile.s32 @!p0 $0x1;
	_ =	shalt  }
.Lfunc_end2:
_tile_overlayer_lowered:
.L_overlay_start_2:
0x3b: {  	(tag) =	ssettag $0x2  }
0x3c: {  	s0 =	rddreg [dreg:$0x0];
	s2 =	stileid.u32  }
0x3d: {  	s1 =	rddreg [dreg:$0x1];
	p0 =	sne.s32 s2, $0x0  }
0x3e: {  	s3 =	rddreg [dreg:$0x2];
	[bflag:$0x3] =	sbarrier.arrive $0xFFFF;
	s2 =	simm.s32 @!p0 $0x1C01  }
0x3f: {  	[timem:s3], [sflag:s2] =	dma.local @!p0 [hbm:s0], s1  }
0x40: {  	s0 =	simm.s32 @!p0 $0x1  }
0x41: {  	_ =	swait.ge @!p0 [sflag:s0], s1  }
0x42: {  	s1 =	ssub.s32 @!p0 $0x0, s1;
	[sflag:s0] =	ssyncset.done @!p0 $0x0  }
0x43: {  	[sflag:s0] =	ssyncadd.s32 @!p0 s1  }
0x44: {  	[bflag:$0x3] =	sbarrier.arrive $0xFFFF  }
0x45: {  	_ =	shalt  }

</sc_bundles>
